<compile_context>
chip_gen: v7x
topology: tpu7x:2x2x1
jax: 0.10.2.dev20260603
libtpu: 0.0.44.dev20260713+nightly
codegen_flags: <defaults>
</compile_context>

<pallas_src>
import functools

import jax
import jax.numpy as jnp
from jax import lax
from jax.experimental import pallas as pl
from jax.experimental.pallas import tpu as pltpu
from jax.experimental.pallas import tpu_sc as plsc

N_ROWS = 16384
N_CODES = 8192
DIM = 256
BETA_ = 1.0

BZ = 512
BW = 8192
NZ = N_ROWS // BZ
NWB = N_CODES // BW
LOSS_SCALE = (1.0 + BETA_) / (N_ROWS * DIM)


_LANES = 128
_NCOL = BW // _LANES


def _dist_argmin_body(z_ref, w_ref, idx_ref, loss_ref, wn_s, w2_s):
    i = pl.program_id(0)

    @pl.when(i == 0)
    def _():
        w = w_ref[...]
        w2_s[...] = w + w
        wn_s[...] = jnp.sum(w * w, axis=1).reshape(1, N_CODES)

    z0 = z_ref[...]
    zn = jnp.sum(z0 * z0, axis=1, keepdims=True)
    zn128 = jnp.broadcast_to(zn, (BZ, _LANES))
    mm2 = lax.dot_general(z0, w2_s[...],
                          dimension_numbers=(((1,), (1,)), ((), ())),
                          preferred_element_type=jnp.float32)

    lane = lax.broadcasted_iota(jnp.int32, (BZ, _LANES), 1)
    cur = [((zn128 + wn_s[:, k * _LANES:(k + 1) * _LANES])
            - mm2[:, k * _LANES:(k + 1) * _LANES], lane + k * _LANES)
           for k in range(_NCOL)]
    while len(cur) > 1:
        nxt = []
        for k in range(0, len(cur), 2):
            (va, ca), (vb, cb) = cur[k], cur[k + 1]
            upd = vb < va
            nxt.append((jnp.where(upd, vb, va), jnp.where(upd, cb, ca)))
        cur = nxt
    fv, fc = cur[0]

    gmin = jnp.min(fv, axis=1)
    idx_ref[0, 0, :] = jnp.min(
        jnp.where(fv == gmin[:, None], fc, jnp.int32(2**31 - 1)), axis=1)
    part = jnp.sum(gmin).reshape(1, 1)
    prev = jnp.where(i == 0, jnp.zeros((1, 1), jnp.float32), loss_ref[...])
    tot = prev + part
    loss_ref[...] = jnp.where(i == NZ - 1, tot * LOSS_SCALE, tot)


def _dist_argmin(z, W):
    return pl.pallas_call(
        _dist_argmin_body,
        grid=(NZ,),
        in_specs=[
            pl.BlockSpec((BZ, DIM), lambda i: (i, 0)),
            pl.BlockSpec((N_CODES, DIM), lambda i: (0, 0)),
        ],
        out_specs=[
            pl.BlockSpec((1, 1, BZ), lambda i: (i, 0, 0)),
            pl.BlockSpec((1, 1), lambda i: (0, 0)),
        ],
        out_shape=[
            jax.ShapeDtypeStruct((NZ, 1, BZ), jnp.int32),
            jax.ShapeDtypeStruct((1, 1), jnp.float32),
        ],
        scratch_shapes=[
            pltpu.VMEM((1, N_CODES), jnp.float32),
            pltpu.VMEM((N_CODES, DIM), jnp.float32),
        ],
        compiler_params=pltpu.CompilerParams(
            dimension_semantics=("arbitrary",)),
    )(z, W)


_NC = 2
_NS = 16
_NWK = _NC * _NS
_BPW = N_ROWS // _NWK
_CH = 128
_NCH = _BPW // _CH


def _sc_gather(W, idx):
    mesh = plsc.VectorSubcoreMesh(core_axis_name="c", subcore_axis_name="s")

    @functools.partial(
        pl.kernel, mesh=mesh,
        out_type=jax.ShapeDtypeStruct((N_ROWS, DIM), jnp.float32),
        scratch_types=[
            pltpu.VMEM((_CH,), jnp.int32),
            pltpu.VMEM((_CH, DIM), jnp.float32),
            pltpu.SemaphoreType.DMA,
        ],
    )
    def k(table_hbm, idx_hbm, out_hbm, idx_v, rows_v, sem):
        wid = lax.axis_index("s") * _NC + lax.axis_index("c")
        base = wid * _BPW
        for c in range(_NCH):
            off = base + c * _CH
            pltpu.sync_copy(idx_hbm.at[pl.ds(off, _CH)], idx_v)
            pltpu.async_copy(table_hbm.at[idx_v], rows_v, sem).wait()
            pltpu.sync_copy(rows_v, out_hbm.at[pl.ds(off, _CH)])

    return k(W, idx)


def kernel(z, W):
    idx3, loss2 = _dist_argmin(z, W)
    idx = idx3.reshape(N_ROWS)
    z_q = _sc_gather(W, idx)
    loss = loss2[0, 0]
    return (loss, z_q, idx)

# --- scband reference (transcript-rebuilt; emitter-appended) ---
"""Pipeline reference for scband-vector-quantizer-90787018703005 (READ-ONLY COPY).

The authoritative reference and input builder live on the scoring server;
editing this copy changes nothing except your own understanding.
"""

import jax, jax.numpy as jnp
import numpy as np

CODEBOOK_SIZE = 8192
EMBED_DIM = 256
BETA = 1.0


def setup_inputs(seed: int = 0) -> dict:
    key = jax.random.key(seed)
    k1, k2 = jax.random.split(key)
    z = jax.random.normal(k1, (16384, EMBED_DIM), dtype=jnp.float32)
    # nn.Embedding weight initialized uniform(-1, 1)
    W = jax.random.uniform(k2, (CODEBOOK_SIZE, EMBED_DIM), dtype=jnp.float32, minval=-1.0, maxval=1.0)
    return {"z": z, "W": W}


def reference(z, W):
    # d[i, j] = ||z_i||^2 + ||W_j||^2 - 2 z_i . W_j
    d = (jnp.sum(z ** 2, axis=1, keepdims=True)
         + jnp.sum(W ** 2, axis=1)
         - 2.0 * jnp.matmul(z, W.T))
    min_encoding_indices = jnp.argmin(d, axis=1)
    z_q = jnp.take(W, min_encoding_indices, axis=0)
    loss = (jnp.mean((jax.lax.stop_gradient(z_q) - z) ** 2)
            + BETA * jnp.mean((z_q - jax.lax.stop_gradient(z)) ** 2))
    # straight-through estimator
    z_q_out = z + jax.lax.stop_gradient(z_q - z)
    return (loss, z_q_out, min_encoding_indices)

if __name__ == "__main__":
    import jax
    _d = setup_inputs()
    print(jax.jit(kernel)(*tuple(_d.values())))

</pallas_src>

<mosaic_0001>
#map = affine_map<(d0, d1) -> (0, 0)>
#map1 = affine_map<(d0, d1) -> (0)>
module attributes {stable_mosaic.version = 14 : i64} {
  func.func @k(%arg0: i32, %arg1: i32, %arg2: memref<8192x256xf32, #tpu.memory_space<hbm>>, %arg3: memref<16384xi32, #tpu.memory_space<hbm>>, %arg4: memref<16384x256xf32, #tpu.memory_space<hbm>>, %arg5: memref<128xi32, #tpu.memory_space<vmem>>, %arg6: memref<128x256xf32, #tpu.memory_space<vmem>>, %arg7: memref<!tpu.dma_semaphore, #tpu.memory_space<semaphore_mem>>) attributes {dimension_semantics = [#tpu.dimension_semantics<core_parallel>, #tpu.dimension_semantics<subcore_parallel>], iteration_bounds = array<i64: 2, 16>, scalar_prefetch = 0 : i64, scratch_operands = 3 : i64, tpu.core_type = #tpu.core_type<sc_vector_subcore>, window_params = [{transform_indices = #map}, {transform_indices = #map1}, {transform_indices = #map}]} {
    %mul3A = arith.constant 2 : i32
    %mul3A_0 = arith.muli %arg1, %mul3A : i32
    %add3A = arith.addi %mul3A_0, %arg0 : i32
    %mul3A_1 = arith.constant 512 : i32
    %mul3A_2 = arith.muli %add3A, %mul3A_1 : i32
    %add3A_3 = arith.constant 0 : i32
    %add3A_4 = arith.addi %mul3A_2, %add3A_3 : i32
    "tpu.region"() ({
      %run_scoped3A = tpu.sem_alloc : memref<!tpu.dma_semaphore, #tpu.memory_space<semaphore_mem>>
      %dma_start3A_33 = tpu.memref_slice %arg3[%add3A_4] : memref<16384xi32, #tpu.memory_space<hbm>> -> memref<128xi32, #tpu.memory_space<hbm>>
      %dma_start3A_34 = tpu.memref_slice %arg3[%add3A_4] : memref<16384xi32, #tpu.memory_space<hbm>> -> memref<128xi32, #tpu.memory_space<hbm>>
      tpu.enqueue_dma source(%dma_start3A_34 : memref<128xi32, #tpu.memory_space<hbm>>) target(%arg5 : memref<128xi32, #tpu.memory_space<vmem>>) target_semaphore(%run_scoped3A : memref<!tpu.dma_semaphore, #tpu.memory_space<semaphore_mem>>)
      %dma_wait3A_35 = tpu.memref_slice %arg3[%add3A_4] : memref<16384xi32, #tpu.memory_space<hbm>> -> memref<128xi32, #tpu.memory_space<hbm>>
      %dma_wait3A_36 = tpu.memref_slice %arg3[%add3A_4] : memref<16384xi32, #tpu.memory_space<hbm>> -> memref<128xi32, #tpu.memory_space<hbm>>
      tpu.wait_dma2 semaphore(%run_scoped3A : memref<!tpu.dma_semaphore, #tpu.memory_space<semaphore_mem>>) src(%dma_wait3A_36 : memref<128xi32, #tpu.memory_space<hbm>>) dst(%arg5 : memref<128xi32, #tpu.memory_space<vmem>>)
      tpu.yield
    }) : () -> ()
    %dma_start3A = arith.constant 0 : i32
    %dma_start3A_5 = arith.constant 0 : i32
    %dma_start3A_6 = tpu.memref_slice %arg2[%dma_start3A, %dma_start3A_5] : memref<8192x256xf32, #tpu.memory_space<hbm>> -> memref<8192x256xf32, #tpu.memory_space<hbm>>
    tpu.enqueue_indirect_dma source(%dma_start3A_6 : memref<8192x256xf32, #tpu.memory_space<hbm>>) target(%arg6 : memref<128x256xf32, #tpu.memory_space<vmem>>) offsets(%arg5 : memref<128xi32, #tpu.memory_space<vmem>>) semaphore(%arg7 : memref<!tpu.dma_semaphore, #tpu.memory_space<semaphore_mem>>)
    %dma_wait3A = arith.constant 0 : i32
    %dma_wait3A_7 = arith.constant 0 : i32
    %dma_wait3A_8 = tpu.memref_slice %arg2[%dma_wait3A, %dma_wait3A_7] : memref<8192x256xf32, #tpu.memory_space<hbm>> -> memref<8192x256xf32, #tpu.memory_space<hbm>>
    tpu.wait_indirect_dma semaphore(%arg7 : memref<!tpu.dma_semaphore, #tpu.memory_space<semaphore_mem>>) src(%dma_wait3A_8 : memref<8192x256xf32, #tpu.memory_space<hbm>>) dst(%arg6 : memref<128x256xf32, #tpu.memory_space<vmem>>)
    "tpu.region"() ({
      %run_scoped3A = tpu.sem_alloc : memref<!tpu.dma_semaphore, #tpu.memory_space<semaphore_mem>>
      %dma_start3A_33 = arith.constant 0 : i32
      %dma_start3A_34 = tpu.memref_slice %arg4[%add3A_4, %dma_start3A_33] : memref<16384x256xf32, #tpu.memory_space<hbm>> -> memref<128x256xf32, #tpu.memory_space<hbm>>
      %dma_start3A_35 = arith.constant 0 : i32
      %dma_start3A_36 = tpu.memref_slice %arg4[%add3A_4, %dma_start3A_35] : memref<16384x256xf32, #tpu.memory_space<hbm>> -> memref<128x256xf32, #tpu.memory_space<hbm>>
      tpu.enqueue_dma source(%arg6 : memref<128x256xf32, #tpu.memory_space<vmem>>) target(%dma_start3A_36 : memref<128x256xf32, #tpu.memory_space<hbm>>) target_semaphore(%run_scoped3A : memref<!tpu.dma_semaphore, #tpu.memory_space<semaphore_mem>>)
      %dma_wait3A_37 = arith.constant 0 : i32
      %dma_wait3A_38 = tpu.memref_slice %arg4[%add3A_4, %dma_wait3A_37] : memref<16384x256xf32, #tpu.memory_space<hbm>> -> memref<128x256xf32, #tpu.memory_space<hbm>>
      %dma_wait3A_39 = arith.constant 0 : i32
      %dma_wait3A_40 = tpu.memref_slice %arg4[%add3A_4, %dma_wait3A_39] : memref<16384x256xf32, #tpu.memory_space<hbm>> -> memref<128x256xf32, #tpu.memory_space<hbm>>
      tpu.wait_dma2 semaphore(%run_scoped3A : memref<!tpu.dma_semaphore, #tpu.memory_space<semaphore_mem>>) src(%arg6 : memref<128x256xf32, #tpu.memory_space<vmem>>) dst(%dma_wait3A_40 : memref<128x256xf32, #tpu.memory_space<hbm>>)
      tpu.yield
    }) : () -> ()
    %add3A_9 = arith.constant 128 : i32
    %add3A_10 = arith.addi %mul3A_2, %add3A_9 : i32
    "tpu.region"() ({
      %run_scoped3A = tpu.sem_alloc : memref<!tpu.dma_semaphore, #tpu.memory_space<semaphore_mem>>
      %dma_start3A_33 = tpu.memref_slice %arg3[%add3A_10] : memref<16384xi32, #tpu.memory_space<hbm>> -> memref<128xi32, #tpu.memory_space<hbm>>
      %dma_start3A_34 = tpu.memref_slice %arg3[%add3A_10] : memref<16384xi32, #tpu.memory_space<hbm>> -> memref<128xi32, #tpu.memory_space<hbm>>
      tpu.enqueue_dma source(%dma_start3A_34 : memref<128xi32, #tpu.memory_space<hbm>>) target(%arg5 : memref<128xi32, #tpu.memory_space<vmem>>) target_semaphore(%run_scoped3A : memref<!tpu.dma_semaphore, #tpu.memory_space<semaphore_mem>>)
      %dma_wait3A_35 = tpu.memref_slice %arg3[%add3A_10] : memref<16384xi32, #tpu.memory_space<hbm>> -> memref<128xi32, #tpu.memory_space<hbm>>
      %dma_wait3A_36 = tpu.memref_slice %arg3[%add3A_10] : memref<16384xi32, #tpu.memory_space<hbm>> -> memref<128xi32, #tpu.memory_space<hbm>>
      tpu.wait_dma2 semaphore(%run_scoped3A : memref<!tpu.dma_semaphore, #tpu.memory_space<semaphore_mem>>) src(%dma_wait3A_36 : memref<128xi32, #tpu.memory_space<hbm>>) dst(%arg5 : memref<128xi32, #tpu.memory_space<vmem>>)
      tpu.yield
    }) : () -> ()
    %dma_start3A_11 = arith.constant 0 : i32
    %dma_start3A_12 = arith.constant 0 : i32
    %dma_start3A_13 = tpu.memref_slice %arg2[%dma_start3A_11, %dma_start3A_12] : memref<8192x256xf32, #tpu.memory_space<hbm>> -> memref<8192x256xf32, #tpu.memory_space<hbm>>
    tpu.enqueue_indirect_dma source(%dma_start3A_13 : memref<8192x256xf32, #tpu.memory_space<hbm>>) target(%arg6 : memref<128x256xf32, #tpu.memory_space<vmem>>) offsets(%arg5 : memref<128xi32, #tpu.memory_space<vmem>>) semaphore(%arg7 : memref<!tpu.dma_semaphore, #tpu.memory_space<semaphore_mem>>)
    %dma_wait3A_14 = arith.constant 0 : i32
    %dma_wait3A_15 = arith.constant 0 : i32
    %dma_wait3A_16 = tpu.memref_slice %arg2[%dma_wait3A_14, %dma_wait3A_15] : memref<8192x256xf32, #tpu.memory_space<hbm>> -> memref<8192x256xf32, #tpu.memory_space<hbm>>
    tpu.wait_indirect_dma semaphore(%arg7 : memref<!tpu.dma_semaphore, #tpu.memory_space<semaphore_mem>>) src(%dma_wait3A_16 : memref<8192x256xf32, #tpu.memory_space<hbm>>) dst(%arg6 : memref<128x256xf32, #tpu.memory_space<vmem>>)
    "tpu.region"() ({
      %run_scoped3A = tpu.sem_alloc : memref<!tpu.dma_semaphore, #tpu.memory_space<semaphore_mem>>
      %dma_start3A_33 = arith.constant 0 : i32
      %dma_start3A_34 = tpu.memref_slice %arg4[%add3A_10, %dma_start3A_33] : memref<16384x256xf32, #tpu.memory_space<hbm>> -> memref<128x256xf32, #tpu.memory_space<hbm>>
      %dma_start3A_35 = arith.constant 0 : i32
      %dma_start3A_36 = tpu.memref_slice %arg4[%add3A_10, %dma_start3A_35] : memref<16384x256xf32, #tpu.memory_space<hbm>> -> memref<128x256xf32, #tpu.memory_space<hbm>>
      tpu.enqueue_dma source(%arg6 : memref<128x256xf32, #tpu.memory_space<vmem>>) target(%dma_start3A_36 : memref<128x256xf32, #tpu.memory_space<hbm>>) target_semaphore(%run_scoped3A : memref<!tpu.dma_semaphore, #tpu.memory_space<semaphore_mem>>)
      %dma_wait3A_37 = arith.constant 0 : i32
      %dma_wait3A_38 = tpu.memref_slice %arg4[%add3A_10, %dma_wait3A_37] : memref<16384x256xf32, #tpu.memory_space<hbm>> -> memref<128x256xf32, #tpu.memory_space<hbm>>
      %dma_wait3A_39 = arith.constant 0 : i32
      %dma_wait3A_40 = tpu.memref_slice %arg4[%add3A_10, %dma_wait3A_39] : memref<16384x256xf32, #tpu.memory_space<hbm>> -> memref<128x256xf32, #tpu.memory_space<hbm>>
      tpu.wait_dma2 semaphore(%run_scoped3A : memref<!tpu.dma_semaphore, #tpu.memory_space<semaphore_mem>>) src(%arg6 : memref<128x256xf32, #tpu.memory_space<vmem>>) dst(%dma_wait3A_40 : memref<128x256xf32, #tpu.memory_space<hbm>>)
      tpu.yield
    }) : () -> ()
    %add3A_17 = arith.constant 256 : i32
    %add3A_18 = arith.addi %mul3A_2, %add3A_17 : i32
    "tpu.region"() ({
      %run_scoped3A = tpu.sem_alloc : memref<!tpu.dma_semaphore, #tpu.memory_space<semaphore_mem>>
      %dma_start3A_33 = tpu.memref_slice %arg3[%add3A_18] : memref<16384xi32, #tpu.memory_space<hbm>> -> memref<128xi32, #tpu.memory_space<hbm>>
      %dma_start3A_34 = tpu.memref_slice %arg3[%add3A_18] : memref<16384xi32, #tpu.memory_space<hbm>> -> memref<128xi32, #tpu.memory_space<hbm>>
      tpu.enqueue_dma source(%dma_start3A_34 : memref<128xi32, #tpu.memory_space<hbm>>) target(%arg5 : memref<128xi32, #tpu.memory_space<vmem>>) target_semaphore(%run_scoped3A : memref<!tpu.dma_semaphore, #tpu.memory_space<semaphore_mem>>)
      %dma_wait3A_35 = tpu.memref_slice %arg3[%add3A_18] : memref<16384xi32, #tpu.memory_space<hbm>> -> memref<128xi32, #tpu.memory_space<hbm>>
      %dma_wait3A_36 = tpu.memref_slice %arg3[%add3A_18] : memref<16384xi32, #tpu.memory_space<hbm>> -> memref<128xi32, #tpu.memory_space<hbm>>
      tpu.wait_dma2 semaphore(%run_scoped3A : memref<!tpu.dma_semaphore, #tpu.memory_space<semaphore_mem>>) src(%dma_wait3A_36 : memref<128xi32, #tpu.memory_space<hbm>>) dst(%arg5 : memref<128xi32, #tpu.memory_space<vmem>>)
      tpu.yield
    }) : () -> ()
    %dma_start3A_19 = arith.constant 0 : i32
    %dma_start3A_20 = arith.constant 0 : i32
    %dma_start3A_21 = tpu.memref_slice %arg2[%dma_start3A_19, %dma_start3A_20] : memref<8192x256xf32, #tpu.memory_space<hbm>> -> memref<8192x256xf32, #tpu.memory_space<hbm>>
    tpu.enqueue_indirect_dma source(%dma_start3A_21 : memref<8192x256xf32, #tpu.memory_space<hbm>>) target(%arg6 : memref<128x256xf32, #tpu.memory_space<vmem>>) offsets(%arg5 : memref<128xi32, #tpu.memory_space<vmem>>) semaphore(%arg7 : memref<!tpu.dma_semaphore, #tpu.memory_space<semaphore_mem>>)
    %dma_wait3A_22 = arith.constant 0 : i32
    %dma_wait3A_23 = arith.constant 0 : i32
    %dma_wait3A_24 = tpu.memref_slice %arg2[%dma_wait3A_22, %dma_wait3A_23] : memref<8192x256xf32, #tpu.memory_space<hbm>> -> memref<8192x256xf32, #tpu.memory_space<hbm>>
    tpu.wait_indirect_dma semaphore(%arg7 : memref<!tpu.dma_semaphore, #tpu.memory_space<semaphore_mem>>) src(%dma_wait3A_24 : memref<8192x256xf32, #tpu.memory_space<hbm>>) dst(%arg6 : memref<128x256xf32, #tpu.memory_space<vmem>>)
    "tpu.region"() ({
      %run_scoped3A = tpu.sem_alloc : memref<!tpu.dma_semaphore, #tpu.memory_space<semaphore_mem>>
      %dma_start3A_33 = arith.constant 0 : i32
      %dma_start3A_34 = tpu.memref_slice %arg4[%add3A_18, %dma_start3A_33] : memref<16384x256xf32, #tpu.memory_space<hbm>> -> memref<128x256xf32, #tpu.memory_space<hbm>>
      %dma_start3A_35 = arith.constant 0 : i32
      %dma_start3A_36 = tpu.memref_slice %arg4[%add3A_18, %dma_start3A_35] : memref<16384x256xf32, #tpu.memory_space<hbm>> -> memref<128x256xf32, #tpu.memory_space<hbm>>
      tpu.enqueue_dma source(%arg6 : memref<128x256xf32, #tpu.memory_space<vmem>>) target(%dma_start3A_36 : memref<128x256xf32, #tpu.memory_space<hbm>>) target_semaphore(%run_scoped3A : memref<!tpu.dma_semaphore, #tpu.memory_space<semaphore_mem>>)
      %dma_wait3A_37 = arith.constant 0 : i32
      %dma_wait3A_38 = tpu.memref_slice %arg4[%add3A_18, %dma_wait3A_37] : memref<16384x256xf32, #tpu.memory_space<hbm>> -> memref<128x256xf32, #tpu.memory_space<hbm>>
      %dma_wait3A_39 = arith.constant 0 : i32
      %dma_wait3A_40 = tpu.memref_slice %arg4[%add3A_18, %dma_wait3A_39] : memref<16384x256xf32, #tpu.memory_space<hbm>> -> memref<128x256xf32, #tpu.memory_space<hbm>>
      tpu.wait_dma2 semaphore(%run_scoped3A : memref<!tpu.dma_semaphore, #tpu.memory_space<semaphore_mem>>) src(%arg6 : memref<128x256xf32, #tpu.memory_space<vmem>>) dst(%dma_wait3A_40 : memref<128x256xf32, #tpu.memory_space<hbm>>)
      tpu.yield
    }) : () -> ()
    %add3A_25 = arith.constant 384 : i32
    %add3A_26 = arith.addi %mul3A_2, %add3A_25 : i32
    "tpu.region"() ({
      %run_scoped3A = tpu.sem_alloc : memref<!tpu.dma_semaphore, #tpu.memory_space<semaphore_mem>>
      %dma_start3A_33 = tpu.memref_slice %arg3[%add3A_26] : memref<16384xi32, #tpu.memory_space<hbm>> -> memref<128xi32, #tpu.memory_space<hbm>>
      %dma_start3A_34 = tpu.memref_slice %arg3[%add3A_26] : memref<16384xi32, #tpu.memory_space<hbm>> -> memref<128xi32, #tpu.memory_space<hbm>>
      tpu.enqueue_dma source(%dma_start3A_34 : memref<128xi32, #tpu.memory_space<hbm>>) target(%arg5 : memref<128xi32, #tpu.memory_space<vmem>>) target_semaphore(%run_scoped3A : memref<!tpu.dma_semaphore, #tpu.memory_space<semaphore_mem>>)
      %dma_wait3A_35 = tpu.memref_slice %arg3[%add3A_26] : memref<16384xi32, #tpu.memory_space<hbm>> -> memref<128xi32, #tpu.memory_space<hbm>>
      %dma_wait3A_36 = tpu.memref_slice %arg3[%add3A_26] : memref<16384xi32, #tpu.memory_space<hbm>> -> memref<128xi32, #tpu.memory_space<hbm>>
      tpu.wait_dma2 semaphore(%run_scoped3A : memref<!tpu.dma_semaphore, #tpu.memory_space<semaphore_mem>>) src(%dma_wait3A_36 : memref<128xi32, #tpu.memory_space<hbm>>) dst(%arg5 : memref<128xi32, #tpu.memory_space<vmem>>)
      tpu.yield
    }) : () -> ()
    %dma_start3A_27 = arith.constant 0 : i32
    %dma_start3A_28 = arith.constant 0 : i32
    %dma_start3A_29 = tpu.memref_slice %arg2[%dma_start3A_27, %dma_start3A_28] : memref<8192x256xf32, #tpu.memory_space<hbm>> -> memref<8192x256xf32, #tpu.memory_space<hbm>>
    tpu.enqueue_indirect_dma source(%dma_start3A_29 : memref<8192x256xf32, #tpu.memory_space<hbm>>) target(%arg6 : memref<128x256xf32, #tpu.memory_space<vmem>>) offsets(%arg5 : memref<128xi32, #tpu.memory_space<vmem>>) semaphore(%arg7 : memref<!tpu.dma_semaphore, #tpu.memory_space<semaphore_mem>>)
    %dma_wait3A_30 = arith.constant 0 : i32
    %dma_wait3A_31 = arith.constant 0 : i32
    %dma_wait3A_32 = tpu.memref_slice %arg2[%dma_wait3A_30, %dma_wait3A_31] : memref<8192x256xf32, #tpu.memory_space<hbm>> -> memref<8192x256xf32, #tpu.memory_space<hbm>>
    tpu.wait_indirect_dma semaphore(%arg7 : memref<!tpu.dma_semaphore, #tpu.memory_space<semaphore_mem>>) src(%dma_wait3A_32 : memref<8192x256xf32, #tpu.memory_space<hbm>>) dst(%arg6 : memref<128x256xf32, #tpu.memory_space<vmem>>)
    "tpu.region"() ({
      %run_scoped3A = tpu.sem_alloc : memref<!tpu.dma_semaphore, #tpu.memory_space<semaphore_mem>>
      %dma_start3A_33 = arith.constant 0 : i32
      %dma_start3A_34 = tpu.memref_slice %arg4[%add3A_26, %dma_start3A_33] : memref<16384x256xf32, #tpu.memory_space<hbm>> -> memref<128x256xf32, #tpu.memory_space<hbm>>
      %dma_start3A_35 = arith.constant 0 : i32
      %dma_start3A_36 = tpu.memref_slice %arg4[%add3A_26, %dma_start3A_35] : memref<16384x256xf32, #tpu.memory_space<hbm>> -> memref<128x256xf32, #tpu.memory_space<hbm>>
      tpu.enqueue_dma source(%arg6 : memref<128x256xf32, #tpu.memory_space<vmem>>) target(%dma_start3A_36 : memref<128x256xf32, #tpu.memory_space<hbm>>) target_semaphore(%run_scoped3A : memref<!tpu.dma_semaphore, #tpu.memory_space<semaphore_mem>>)
      %dma_wait3A_37 = arith.constant 0 : i32
      %dma_wait3A_38 = tpu.memref_slice %arg4[%add3A_26, %dma_wait3A_37] : memref<16384x256xf32, #tpu.memory_space<hbm>> -> memref<128x256xf32, #tpu.memory_space<hbm>>
      %dma_wait3A_39 = arith.constant 0 : i32
      %dma_wait3A_40 = tpu.memref_slice %arg4[%add3A_26, %dma_wait3A_39] : memref<16384x256xf32, #tpu.memory_space<hbm>> -> memref<128x256xf32, #tpu.memory_space<hbm>>
      tpu.wait_dma2 semaphore(%run_scoped3A : memref<!tpu.dma_semaphore, #tpu.memory_space<semaphore_mem>>) src(%arg6 : memref<128x256xf32, #tpu.memory_space<vmem>>) dst(%dma_wait3A_40 : memref<128x256xf32, #tpu.memory_space<hbm>>)
      tpu.yield
    }) : () -> ()
    return
  }
}

module attributes {stable_mosaic.version = 14 : i64} {
  func.func @_dist_argmin_body(%arg0: i32, %arg1: memref<512x256xf32, #tpu.memory_space<vmem>>, %arg2: memref<8192x256xf32, #tpu.memory_space<vmem>>, %arg3: memref<1x1x512xi32, #tpu.memory_space<vmem>>, %arg4: memref<1x1xf32, #tpu.memory_space<vmem>>, %arg5: memref<1x8192xf32, #tpu.memory_space<vmem>>, %arg6: memref<8192x256xf32, #tpu.memory_space<vmem>>) attributes {dimension_semantics = [#tpu.dimension_semantics<arbitrary>], iteration_bounds = array<i64: 32>, scalar_prefetch = 0 : i64, scratch_operands = 2 : i64, tpu.core_type = #tpu.core_type<tc>, window_params = [{transform_indices = @transform_0, window_bounds = array<i64: 512, 256>}, {pipeline_mode = #tpu.pipeline_mode<synchronous>, transform_indices = @transform_1, window_bounds = array<i64: 8192, 256>}, {transform_indices = @transform_2, window_bounds = array<i64: 1, 1, 512>}, {pipeline_mode = #tpu.pipeline_mode<synchronous>, transform_indices = @transform_3, window_bounds = array<i64: 1, 1>}]} {
    %eq3A = arith.constant 0 : i32
    %eq3A_0 = arith.cmpi eq, %arg0, %eq3A : i32
    %convert_element_type3A = arith.extui %eq3A_0 : i1 to i32
    %cond3A = arith.constant 0 : i32
    %cond3A_1 = arith.cmpi ne, %convert_element_type3A, %cond3A : i32
    scf.if %cond3A_1 {
      %get3A_871 = arith.constant 0 : index
      %get3A_872 = arith.constant 0 : index
      %get3A_873 = vector.load %arg2[%get3A_871, %get3A_872] : memref<8192x256xf32, #tpu.memory_space<vmem>>, vector<8192x256xf32>
      %add3A_874 = arith.addf %get3A_873, %get3A_873 : vector<8192x256xf32>
      %swap3A_875 = arith.constant 0 : index
      %swap3A_876 = arith.constant 0 : index
      %swap3A_877 = vector.load %arg6[%swap3A_875, %swap3A_876] : memref<8192x256xf32, #tpu.memory_space<vmem>>, vector<8192x256xf32>
      tpu.vector_store %arg6[%swap3A_875, %swap3A_876], %add3A_874 {strides = array<i32>} : memref<8192x256xf32, #tpu.memory_space<vmem>>, vector<8192x256xf32>,
      %mul3A_878 = arith.mulf %get3A_873, %get3A_873 : vector<8192x256xf32>
      %reduce_sum3A_879 = arith.constant dense<0.000000e+00> : vector<8192xf32>
      %reduce_sum3A_880 = vector.multi_reduction <add>, %mul3A_878, %reduce_sum3A_879 [1] : vector<8192x256xf32> to vector<8192xf32>
      %reshape3A_881 = vector.shape_cast %reduce_sum3A_880 : vector<8192xf32> to vector<1x8192xf32>
      %swap3A_882 = arith.constant 0 : index
      %swap3A_883 = arith.constant 0 : index
      %swap3A_884 = vector.load %arg5[%swap3A_882, %swap3A_883] : memref<1x8192xf32, #tpu.memory_space<vmem>>, vector<1x8192xf32>
      tpu.vector_store %arg5[%swap3A_882, %swap3A_883], %reshape3A_881 {strides = array<i32>} : memref<1x8192xf32, #tpu.memory_space<vmem>>, vector<1x8192xf32>,
    } else {
    }
    %get3A = arith.constant 0 : index
    %get3A_2 = arith.constant 0 : index
    %get3A_3 = vector.load %arg1[%get3A, %get3A_2] : memref<512x256xf32, #tpu.memory_space<vmem>>, vector<512x256xf32>
    %mul3A = arith.mulf %get3A_3, %get3A_3 : vector<512x256xf32>
    %reduce_sum3A = arith.constant dense<0.000000e+00> : vector<512xf32>
    %reduce_sum3A_4 = vector.multi_reduction <add>, %mul3A, %reduce_sum3A [1] : vector<512x256xf32> to vector<512xf32>
    %broadcast_in_dim3A = vector.shape_cast %reduce_sum3A_4 : vector<512xf32> to vector<512x1xf32>
    %broadcast_in_dim3A_5 = vector.shape_cast %broadcast_in_dim3A : vector<512x1xf32> to vector<512x1xf32>
    %broadcast_in_dim3A_6 = vector.broadcast %broadcast_in_dim3A_5 : vector<512x1xf32> to vector<512x128xf32>
    %get3A_7 = arith.constant 0 : index
    %get3A_8 = arith.constant 0 : index
    %get3A_9 = vector.load %arg6[%get3A_7, %get3A_8] : memref<8192x256xf32, #tpu.memory_space<vmem>>, vector<8192x256xf32>
    %dot_general3A = arith.constant dense<0.000000e+00> : vector<512x8192xf32>
    %dot_general3A_10 = tpu.matmul %get3A_3, %get3A_9, %dot_general3A {dimension_numbers = #tpu.dot_dimension_numbers<[1], [1], [0], [0], [0, 0, 1, 0], [], []>, transpose_lhs_hint = false} : vector<512x256xf32>, vector<8192x256xf32>, vector<512x8192xf32> -> vector<512x8192xf32>
    %iota3A = tpu.iota {dimensions = array<i32: 1>} : vector<512x128xi32>
    %get3A_11 = arith.constant 0 : index
    %get3A_12 = arith.constant 0 : index
    %get3A_13 = vector.load %arg5[%get3A_11, %get3A_12] : memref<1x8192xf32, #tpu.memory_space<vmem>>, vector<1x128xf32>
    %add3A = vector.broadcast %get3A_13 : vector<1x128xf32> to vector<512x128xf32>
    %add3A_14 = arith.addf %broadcast_in_dim3A_6, %add3A : vector<512x128xf32>
    %slice3A = vector.extract_strided_slice %dot_general3A_10 {offsets = [0, 0], sizes = [512, 128], strides = [1, 1]} : vector<512x8192xf32> to vector<512x128xf32>
    %sub3A = arith.subf %add3A_14, %slice3A : vector<512x128xf32>
    %add3A_15 = arith.constant 0 : i32
    %add3A_16 = vector.broadcast %add3A_15 : i32 to vector<512x128xi32>
    %add3A_17 = arith.addi %iota3A, %add3A_16 : vector<512x128xi32>
    %get3A_18 = arith.constant 0 : index
    %get3A_19 = arith.constant 128 : index
    %get3A_20 = vector.load %arg5[%get3A_18, %get3A_19] : memref<1x8192xf32, #tpu.memory_space<vmem>>, vector<1x128xf32>
    %add3A_21 = vector.broadcast %get3A_20 : vector<1x128xf32> to vector<512x128xf32>
    %add3A_22 = arith.addf %broadcast_in_dim3A_6, %add3A_21 : vector<512x128xf32>
    %slice3A_23 = vector.extract_strided_slice %dot_general3A_10 {offsets = [0, 128], sizes = [512, 128], strides = [1, 1]} : vector<512x8192xf32> to vector<512x128xf32>
    %sub3A_24 = arith.subf %add3A_22, %slice3A_23 : vector<512x128xf32>
    %add3A_25 = arith.constant 128 : i32
    %add3A_26 = vector.broadcast %add3A_25 : i32 to vector<512x128xi32>
    %add3A_27 = arith.addi %iota3A, %add3A_26 : vector<512x128xi32>
    %get3A_28 = arith.constant 0 : index
    %get3A_29 = arith.constant 256 : index
    %get3A_30 = vector.load %arg5[%get3A_28, %get3A_29] : memref<1x8192xf32, #tpu.memory_space<vmem>>, vector<1x128xf32>
    %add3A_31 = vector.broadcast %get3A_30 : vector<1x128xf32> to vector<512x128xf32>
    %add3A_32 = arith.addf %broadcast_in_dim3A_6, %add3A_31 : vector<512x128xf32>
    %slice3A_33 = vector.extract_strided_slice %dot_general3A_10 {offsets = [0, 256], sizes = [512, 128], strides = [1, 1]} : vector<512x8192xf32> to vector<512x128xf32>
    %sub3A_34 = arith.subf %add3A_32, %slice3A_33 : vector<512x128xf32>
    %add3A_35 = arith.constant 256 : i32
    %add3A_36 = vector.broadcast %add3A_35 : i32 to vector<512x128xi32>
    %add3A_37 = arith.addi %iota3A, %add3A_36 : vector<512x128xi32>
    %get3A_38 = arith.constant 0 : index
    %get3A_39 = arith.constant 384 : index
    %get3A_40 = vector.load %arg5[%get3A_38, %get3A_39] : memref<1x8192xf32, #tpu.memory_space<vmem>>, vector<1x128xf32>
    %add3A_41 = vector.broadcast %get3A_40 : vector<1x128xf32> to vector<512x128xf32>
    %add3A_42 = arith.addf %broadcast_in_dim3A_6, %add3A_41 : vector<512x128xf32>
    %slice3A_43 = vector.extract_strided_slice %dot_general3A_10 {offsets = [0, 384], sizes = [512, 128], strides = [1, 1]} : vector<512x8192xf32> to vector<512x128xf32>
    %sub3A_44 = arith.subf %add3A_42, %slice3A_43 : vector<512x128xf32>
    %add3A_45 = arith.constant 384 : i32
    %add3A_46 = vector.broadcast %add3A_45 : i32 to vector<512x128xi32>
    %add3A_47 = arith.addi %iota3A, %add3A_46 : vector<512x128xi32>
    %get3A_48 = arith.constant 0 : index
    %get3A_49 = arith.constant 512 : index
    %get3A_50 = vector.load %arg5[%get3A_48, %get3A_49] : memref<1x8192xf32, #tpu.memory_space<vmem>>, vector<1x128xf32>
    %add3A_51 = vector.broadcast %get3A_50 : vector<1x128xf32> to vector<512x128xf32>
    %add3A_52 = arith.addf %broadcast_in_dim3A_6, %add3A_51 : vector<512x128xf32>
    %slice3A_53 = vector.extract_strided_slice %dot_general3A_10 {offsets = [0, 512], sizes = [512, 128], strides = [1, 1]} : vector<512x8192xf32> to vector<512x128xf32>
    %sub3A_54 = arith.subf %add3A_52, %slice3A_53 : vector<512x128xf32>
    %add3A_55 = arith.constant 512 : i32
    %add3A_56 = vector.broadcast %add3A_55 : i32 to vector<512x128xi32>
    %add3A_57 = arith.addi %iota3A, %add3A_56 : vector<512x128xi32>
    %get3A_58 = arith.constant 0 : index
    %get3A_59 = arith.constant 640 : index
    %get3A_60 = vector.load %arg5[%get3A_58, %get3A_59] : memref<1x8192xf32, #tpu.memory_space<vmem>>, vector<1x128xf32>
    %add3A_61 = vector.broadcast %get3A_60 : vector<1x128xf32> to vector<512x128xf32>
    %add3A_62 = arith.addf %broadcast_in_dim3A_6, %add3A_61 : vector<512x128xf32>
    %slice3A_63 = vector.extract_strided_slice %dot_general3A_10 {offsets = [0, 640], sizes = [512, 128], strides = [1, 1]} : vector<512x8192xf32> to vector<512x128xf32>
    %sub3A_64 = arith.subf %add3A_62, %slice3A_63 : vector<512x128xf32>
    %add3A_65 = arith.constant 640 : i32
    %add3A_66 = vector.broadcast %add3A_65 : i32 to vector<512x128xi32>
    %add3A_67 = arith.addi %iota3A, %add3A_66 : vector<512x128xi32>
    %get3A_68 = arith.constant 0 : index
    %get3A_69 = arith.constant 768 : index
    %get3A_70 = vector.load %arg5[%get3A_68, %get3A_69] : memref<1x8192xf32, #tpu.memory_space<vmem>>, vector<1x128xf32>
    %add3A_71 = vector.broadcast %get3A_70 : vector<1x128xf32> to vector<512x128xf32>
    %add3A_72 = arith.addf %broadcast_in_dim3A_6, %add3A_71 : vector<512x128xf32>
    %slice3A_73 = vector.extract_strided_slice %dot_general3A_10 {offsets = [0, 768], sizes = [512, 128], strides = [1, 1]} : vector<512x8192xf32> to vector<512x128xf32>
    %sub3A_74 = arith.subf %add3A_72, %slice3A_73 : vector<512x128xf32>
    %add3A_75 = arith.constant 768 : i32
    %add3A_76 = vector.broadcast %add3A_75 : i32 to vector<512x128xi32>
    %add3A_77 = arith.addi %iota3A, %add3A_76 : vector<512x128xi32>
    %get3A_78 = arith.constant 0 : index
    %get3A_79 = arith.constant 896 : index
    %get3A_80 = vector.load %arg5[%get3A_78, %get3A_79] : memref<1x8192xf32, #tpu.memory_space<vmem>>, vector<1x128xf32>
    %add3A_81 = vector.broadcast %get3A_80 : vector<1x128xf32> to vector<512x128xf32>
    %add3A_82 = arith.addf %broadcast_in_dim3A_6, %add3A_81 : vector<512x128xf32>
    %slice3A_83 = vector.extract_strided_slice %dot_general3A_10 {offsets = [0, 896], sizes = [512, 128], strides = [1, 1]} : vector<512x8192xf32> to vector<512x128xf32>
    %sub3A_84 = arith.subf %add3A_82, %slice3A_83 : vector<512x128xf32>
    %add3A_85 = arith.constant 896 : i32
    %add3A_86 = vector.broadcast %add3A_85 : i32 to vector<512x128xi32>
    %add3A_87 = arith.addi %iota3A, %add3A_86 : vector<512x128xi32>
    %get3A_88 = arith.constant 0 : index
    %get3A_89 = arith.constant 1024 : index
    %get3A_90 = vector.load %arg5[%get3A_88, %get3A_89] : memref<1x8192xf32, #tpu.memory_space<vmem>>, vector<1x128xf32>
    %add3A_91 = vector.broadcast %get3A_90 : vector<1x128xf32> to vector<512x128xf32>
    %add3A_92 = arith.addf %broadcast_in_dim3A_6, %add3A_91 : vector<512x128xf32>
    %slice3A_93 = vector.extract_strided_slice %dot_general3A_10 {offsets = [0, 1024], sizes = [512, 128], strides = [1, 1]} : vector<512x8192xf32> to vector<512x128xf32>
    %sub3A_94 = arith.subf %add3A_92, %slice3A_93 : vector<512x128xf32>
    %add3A_95 = arith.constant 1024 : i32
    %add3A_96 = vector.broadcast %add3A_95 : i32 to vector<512x128xi32>
    %add3A_97 = arith.addi %iota3A, %add3A_96 : vector<512x128xi32>
    %get3A_98 = arith.constant 0 : index
    %get3A_99 = arith.constant 1152 : index
    %get3A_100 = vector.load %arg5[%get3A_98, %get3A_99] : memref<1x8192xf32, #tpu.memory_space<vmem>>, vector<1x128xf32>
    %add3A_101 = vector.broadcast %get3A_100 : vector<1x128xf32> to vector<512x128xf32>
    %add3A_102 = arith.addf %broadcast_in_dim3A_6, %add3A_101 : vector<512x128xf32>
    %slice3A_103 = vector.extract_strided_slice %dot_general3A_10 {offsets = [0, 1152], sizes = [512, 128], strides = [1, 1]} : vector<512x8192xf32> to vector<512x128xf32>
    %sub3A_104 = arith.subf %add3A_102, %slice3A_103 : vector<512x128xf32>
    %add3A_105 = arith.constant 1152 : i32
    %add3A_106 = vector.broadcast %add3A_105 : i32 to vector<512x128xi32>
    %add3A_107 = arith.addi %iota3A, %add3A_106 : vector<512x128xi32>
    %get3A_108 = arith.constant 0 : index
    %get3A_109 = arith.constant 1280 : index
    %get3A_110 = vector.load %arg5[%get3A_108, %get3A_109] : memref<1x8192xf32, #tpu.memory_space<vmem>>, vector<1x128xf32>
    %add3A_111 = vector.broadcast %get3A_110 : vector<1x128xf32> to vector<512x128xf32>
    %add3A_112 = arith.addf %broadcast_in_dim3A_6, %add3A_111 : vector<512x128xf32>
    %slice3A_113 = vector.extract_strided_slice %dot_general3A_10 {offsets = [0, 1280], sizes = [512, 128], strides = [1, 1]} : vector<512x8192xf32> to vector<512x128xf32>
    %sub3A_114 = arith.subf %add3A_112, %slice3A_113 : vector<512x128xf32>
    %add3A_115 = arith.constant 1280 : i32
    %add3A_116 = vector.broadcast %add3A_115 : i32 to vector<512x128xi32>
    %add3A_117 = arith.addi %iota3A, %add3A_116 : vector<512x128xi32>
    %get3A_118 = arith.constant 0 : index
    %get3A_119 = arith.constant 1408 : index
    %get3A_120 = vector.load %arg5[%get3A_118, %get3A_119] : memref<1x8192xf32, #tpu.memory_space<vmem>>, vector<1x128xf32>
    %add3A_121 = vector.broadcast %get3A_120 : vector<1x128xf32> to vector<512x128xf32>
    %add3A_122 = arith.addf %broadcast_in_dim3A_6, %add3A_121 : vector<512x128xf32>
    %slice3A_123 = vector.extract_strided_slice %dot_general3A_10 {offsets = [0, 1408], sizes = [512, 128], strides = [1, 1]} : vector<512x8192xf32> to vector<512x128xf32>
    %sub3A_124 = arith.subf %add3A_122, %slice3A_123 : vector<512x128xf32>
    %add3A_125 = arith.constant 1408 : i32
    %add3A_126 = vector.broadcast %add3A_125 : i32 to vector<512x128xi32>
    %add3A_127 = arith.addi %iota3A, %add3A_126 : vector<512x128xi32>
    %get3A_128 = arith.constant 0 : index
    %get3A_129 = arith.constant 1536 : index
    %get3A_130 = vector.load %arg5[%get3A_128, %get3A_129] : memref<1x8192xf32, #tpu.memory_space<vmem>>, vector<1x128xf32>
    %add3A_131 = vector.broadcast %get3A_130 : vector<1x128xf32> to vector<512x128xf32>
    %add3A_132 = arith.addf %broadcast_in_dim3A_6, %add3A_131 : vector<512x128xf32>
    %slice3A_133 = vector.extract_strided_slice %dot_general3A_10 {offsets = [0, 1536], sizes = [512, 128], strides = [1, 1]} : vector<512x8192xf32> to vector<512x128xf32>
    %sub3A_134 = arith.subf %add3A_132, %slice3A_133 : vector<512x128xf32>
    %add3A_135 = arith.constant 1536 : i32
    %add3A_136 = vector.broadcast %add3A_135 : i32 to vector<512x128xi32>
    %add3A_137 = arith.addi %iota3A, %add3A_136 : vector<512x128xi32>
    %get3A_138 = arith.constant 0 : index
    %get3A_139 = arith.constant 1664 : index
    %get3A_140 = vector.load %arg5[%get3A_138, %get3A_139] : memref<1x8192xf32, #tpu.memory_space<vmem>>, vector<1x128xf32>
    %add3A_141 = vector.broadcast %get3A_140 : vector<1x128xf32> to vector<512x128xf32>
    %add3A_142 = arith.addf %broadcast_in_dim3A_6, %add3A_141 : vector<512x128xf32>
    %slice3A_143 = vector.extract_strided_slice %dot_general3A_10 {offsets = [0, 1664], sizes = [512, 128], strides = [1, 1]} : vector<512x8192xf32> to vector<512x128xf32>
    %sub3A_144 = arith.subf %add3A_142, %slice3A_143 : vector<512x128xf32>
    %add3A_145 = arith.constant 1664 : i32
    %add3A_146 = vector.broadcast %add3A_145 : i32 to vector<512x128xi32>
    %add3A_147 = arith.addi %iota3A, %add3A_146 : vector<512x128xi32>
    %get3A_148 = arith.constant 0 : index
    %get3A_149 = arith.constant 1792 : index
    %get3A_150 = vector.load %arg5[%get3A_148, %get3A_149] : memref<1x8192xf32, #tpu.memory_space<vmem>>, vector<1x128xf32>
    %add3A_151 = vector.broadcast %get3A_150 : vector<1x128xf32> to vector<512x128xf32>
    %add3A_152 = arith.addf %broadcast_in_dim3A_6, %add3A_151 : vector<512x128xf32>
    %slice3A_153 = vector.extract_strided_slice %dot_general3A_10 {offsets = [0, 1792], sizes = [512, 128], strides = [1, 1]} : vector<512x8192xf32> to vector<512x128xf32>
    %sub3A_154 = arith.subf %add3A_152, %slice3A_153 : vector<512x128xf32>
    %add3A_155 = arith.constant 1792 : i32
    %add3A_156 = vector.broadcast %add3A_155 : i32 to vector<512x128xi32>
    %add3A_157 = arith.addi %iota3A, %add3A_156 : vector<512x128xi32>
    %get3A_158 = arith.constant 0 : index
    %get3A_159 = arith.constant 1920 : index
    %get3A_160 = vector.load %arg5[%get3A_158, %get3A_159] : memref<1x8192xf32, #tpu.memory_space<vmem>>, vector<1x128xf32>
    %add3A_161 = vector.broadcast %get3A_160 : vector<1x128xf32> to vector<512x128xf32>
    %add3A_162 = arith.addf %broadcast_in_dim3A_6, %add3A_161 : vector<512x128xf32>
    %slice3A_163 = vector.extract_strided_slice %dot_general3A_10 {offsets = [0, 1920], sizes = [512, 128], strides = [1, 1]} : vector<512x8192xf32> to vector<512x128xf32>
    %sub3A_164 = arith.subf %add3A_162, %slice3A_163 : vector<512x128xf32>
    %add3A_165 = arith.constant 1920 : i32
    %add3A_166 = vector.broadcast %add3A_165 : i32 to vector<512x128xi32>
    %add3A_167 = arith.addi %iota3A, %add3A_166 : vector<512x128xi32>
    %get3A_168 = arith.constant 0 : index
    %get3A_169 = arith.constant 2048 : index
    %get3A_170 = vector.load %arg5[%get3A_168, %get3A_169] : memref<1x8192xf32, #tpu.memory_space<vmem>>, vector<1x128xf32>
    %add3A_171 = vector.broadcast %get3A_170 : vector<1x128xf32> to vector<512x128xf32>
    %add3A_172 = arith.addf %broadcast_in_dim3A_6, %add3A_171 : vector<512x128xf32>
    %slice3A_173 = vector.extract_strided_slice %dot_general3A_10 {offsets = [0, 2048], sizes = [512, 128], strides = [1, 1]} : vector<512x8192xf32> to vector<512x128xf32>
    %sub3A_174 = arith.subf %add3A_172, %slice3A_173 : vector<512x128xf32>
    %add3A_175 = arith.constant 2048 : i32
    %add3A_176 = vector.broadcast %add3A_175 : i32 to vector<512x128xi32>
    %add3A_177 = arith.addi %iota3A, %add3A_176 : vector<512x128xi32>
    %get3A_178 = arith.constant 0 : index
    %get3A_179 = arith.constant 2176 : index
    %get3A_180 = vector.load %arg5[%get3A_178, %get3A_179] : memref<1x8192xf32, #tpu.memory_space<vmem>>, vector<1x128xf32>
    %add3A_181 = vector.broadcast %get3A_180 : vector<1x128xf32> to vector<512x128xf32>
    %add3A_182 = arith.addf %broadcast_in_dim3A_6, %add3A_181 : vector<512x128xf32>
    %slice3A_183 = vector.extract_strided_slice %dot_general3A_10 {offsets = [0, 2176], sizes = [512, 128], strides = [1, 1]} : vector<512x8192xf32> to vector<512x128xf32>
    %sub3A_184 = arith.subf %add3A_182, %slice3A_183 : vector<512x128xf32>
    %add3A_185 = arith.constant 2176 : i32
    %add3A_186 = vector.broadcast %add3A_185 : i32 to vector<512x128xi32>
    %add3A_187 = arith.addi %iota3A, %add3A_186 : vector<512x128xi32>
    %get3A_188 = arith.constant 0 : index
    %get3A_189 = arith.constant 2304 : index
    %get3A_190 = vector.load %arg5[%get3A_188, %get3A_189] : memref<1x8192xf32, #tpu.memory_space<vmem>>, vector<1x128xf32>
    %add3A_191 = vector.broadcast %get3A_190 : vector<1x128xf32> to vector<512x128xf32>
    %add3A_192 = arith.addf %broadcast_in_dim3A_6, %add3A_191 : vector<512x128xf32>
    %slice3A_193 = vector.extract_strided_slice %dot_general3A_10 {offsets = [0, 2304], sizes = [512, 128], strides = [1, 1]} : vector<512x8192xf32> to vector<512x128xf32>
    %sub3A_194 = arith.subf %add3A_192, %slice3A_193 : vector<512x128xf32>
    %add3A_195 = arith.constant 2304 : i32
    %add3A_196 = vector.broadcast %add3A_195 : i32 to vector<512x128xi32>
    %add3A_197 = arith.addi %iota3A, %add3A_196 : vector<512x128xi32>
    %get3A_198 = arith.constant 0 : index
    %get3A_199 = arith.constant 2432 : index
    %get3A_200 = vector.load %arg5[%get3A_198, %get3A_199] : memref<1x8192xf32, #tpu.memory_space<vmem>>, vector<1x128xf32>
    %add3A_201 = vector.broadcast %get3A_200 : vector<1x128xf32> to vector<512x128xf32>
    %add3A_202 = arith.addf %broadcast_in_dim3A_6, %add3A_201 : vector<512x128xf32>
    %slice3A_203 = vector.extract_strided_slice %dot_general3A_10 {offsets = [0, 2432], sizes = [512, 128], strides = [1, 1]} : vector<512x8192xf32> to vector<512x128xf32>
    %sub3A_204 = arith.subf %add3A_202, %slice3A_203 : vector<512x128xf32>
    %add3A_205 = arith.constant 2432 : i32
    %add3A_206 = vector.broadcast %add3A_205 : i32 to vector<512x128xi32>
    %add3A_207 = arith.addi %iota3A, %add3A_206 : vector<512x128xi32>
    %get3A_208 = arith.constant 0 : index
    %get3A_209 = arith.constant 2560 : index
    %get3A_210 = vector.load %arg5[%get3A_208, %get3A_209] : memref<1x8192xf32, #tpu.memory_space<vmem>>, vector<1x128xf32>
    %add3A_211 = vector.broadcast %get3A_210 : vector<1x128xf32> to vector<512x128xf32>
    %add3A_212 = arith.addf %broadcast_in_dim3A_6, %add3A_211 : vector<512x128xf32>
    %slice3A_213 = vector.extract_strided_slice %dot_general3A_10 {offsets = [0, 2560], sizes = [512, 128], strides = [1, 1]} : vector<512x8192xf32> to vector<512x128xf32>
    %sub3A_214 = arith.subf %add3A_212, %slice3A_213 : vector<512x128xf32>
    %add3A_215 = arith.constant 2560 : i32
    %add3A_216 = vector.broadcast %add3A_215 : i32 to vector<512x128xi32>
    %add3A_217 = arith.addi %iota3A, %add3A_216 : vector<512x128xi32>
    %get3A_218 = arith.constant 0 : index
    %get3A_219 = arith.constant 2688 : index
    %get3A_220 = vector.load %arg5[%get3A_218, %get3A_219] : memref<1x8192xf32, #tpu.memory_space<vmem>>, vector<1x128xf32>
    %add3A_221 = vector.broadcast %get3A_220 : vector<1x128xf32> to vector<512x128xf32>
    %add3A_222 = arith.addf %broadcast_in_dim3A_6, %add3A_221 : vector<512x128xf32>
    %slice3A_223 = vector.extract_strided_slice %dot_general3A_10 {offsets = [0, 2688], sizes = [512, 128], strides = [1, 1]} : vector<512x8192xf32> to vector<512x128xf32>
    %sub3A_224 = arith.subf %add3A_222, %slice3A_223 : vector<512x128xf32>
    %add3A_225 = arith.constant 2688 : i32
    %add3A_226 = vector.broadcast %add3A_225 : i32 to vector<512x128xi32>
    %add3A_227 = arith.addi %iota3A, %add3A_226 : vector<512x128xi32>
    %get3A_228 = arith.constant 0 : index
    %get3A_229 = arith.constant 2816 : index
    %get3A_230 = vector.load %arg5[%get3A_228, %get3A_229] : memref<1x8192xf32, #tpu.memory_space<vmem>>, vector<1x128xf32>
    %add3A_231 = vector.broadcast %get3A_230 : vector<1x128xf32> to vector<512x128xf32>
    %add3A_232 = arith.addf %broadcast_in_dim3A_6, %add3A_231 : vector<512x128xf32>
    %slice3A_233 = vector.extract_strided_slice %dot_general3A_10 {offsets = [0, 2816], sizes = [512, 128], strides = [1, 1]} : vector<512x8192xf32> to vector<512x128xf32>
    %sub3A_234 = arith.subf %add3A_232, %slice3A_233 : vector<512x128xf32>
    %add3A_235 = arith.constant 2816 : i32
    %add3A_236 = vector.broadcast %add3A_235 : i32 to vector<512x128xi32>
    %add3A_237 = arith.addi %iota3A, %add3A_236 : vector<512x128xi32>
    %get3A_238 = arith.constant 0 : index
    %get3A_239 = arith.constant 2944 : index
    %get3A_240 = vector.load %arg5[%get3A_238, %get3A_239] : memref<1x8192xf32, #tpu.memory_space<vmem>>, vector<1x128xf32>
    %add3A_241 = vector.broadcast %get3A_240 : vector<1x128xf32> to vector<512x128xf32>
    %add3A_242 = arith.addf %broadcast_in_dim3A_6, %add3A_241 : vector<512x128xf32>
    %slice3A_243 = vector.extract_strided_slice %dot_general3A_10 {offsets = [0, 2944], sizes = [512, 128], strides = [1, 1]} : vector<512x8192xf32> to vector<512x128xf32>
    %sub3A_244 = arith.subf %add3A_242, %slice3A_243 : vector<512x128xf32>
    %add3A_245 = arith.constant 2944 : i32
    %add3A_246 = vector.broadcast %add3A_245 : i32 to vector<512x128xi32>
    %add3A_247 = arith.addi %iota3A, %add3A_246 : vector<512x128xi32>
    %get3A_248 = arith.constant 0 : index
    %get3A_249 = arith.constant 3072 : index
    %get3A_250 = vector.load %arg5[%get3A_248, %get3A_249] : memref<1x8192xf32, #tpu.memory_space<vmem>>, vector<1x128xf32>
    %add3A_251 = vector.broadcast %get3A_250 : vector<1x128xf32> to vector<512x128xf32>
    %add3A_252 = arith.addf %broadcast_in_dim3A_6, %add3A_251 : vector<512x128xf32>
    %slice3A_253 = vector.extract_strided_slice %dot_general3A_10 {offsets = [0, 3072], sizes = [512, 128], strides = [1, 1]} : vector<512x8192xf32> to vector<512x128xf32>
    %sub3A_254 = arith.subf %add3A_252, %slice3A_253 : vector<512x128xf32>
    %add3A_255 = arith.constant 3072 : i32
    %add3A_256 = vector.broadcast %add3A_255 : i32 to vector<512x128xi32>
    %add3A_257 = arith.addi %iota3A, %add3A_256 : vector<512x128xi32>
    %get3A_258 = arith.constant 0 : index
    %get3A_259 = arith.constant 3200 : index
    %get3A_260 = vector.load %arg5[%get3A_258, %get3A_259] : memref<1x8192xf32, #tpu.memory_space<vmem>>, vector<1x128xf32>
    %add3A_261 = vector.broadcast %get3A_260 : vector<1x128xf32> to vector<512x128xf32>
    %add3A_262 = arith.addf %broadcast_in_dim3A_6, %add3A_261 : vector<512x128xf32>
    %slice3A_263 = vector.extract_strided_slice %dot_general3A_10 {offsets = [0, 3200], sizes = [512, 128], strides = [1, 1]} : vector<512x8192xf32> to vector<512x128xf32>
    %sub3A_264 = arith.subf %add3A_262, %slice3A_263 : vector<512x128xf32>
    %add3A_265 = arith.constant 3200 : i32
    %add3A_266 = vector.broadcast %add3A_265 : i32 to vector<512x128xi32>
    %add3A_267 = arith.addi %iota3A, %add3A_266 : vector<512x128xi32>
    %get3A_268 = arith.constant 0 : index
    %get3A_269 = arith.constant 3328 : index
    %get3A_270 = vector.load %arg5[%get3A_268, %get3A_269] : memref<1x8192xf32, #tpu.memory_space<vmem>>, vector<1x128xf32>
    %add3A_271 = vector.broadcast %get3A_270 : vector<1x128xf32> to vector<512x128xf32>
    %add3A_272 = arith.addf %broadcast_in_dim3A_6, %add3A_271 : vector<512x128xf32>
    %slice3A_273 = vector.extract_strided_slice %dot_general3A_10 {offsets = [0, 3328], sizes = [512, 128], strides = [1, 1]} : vector<512x8192xf32> to vector<512x128xf32>
    %sub3A_274 = arith.subf %add3A_272, %slice3A_273 : vector<512x128xf32>
    %add3A_275 = arith.constant 3328 : i32
    %add3A_276 = vector.broadcast %add3A_275 : i32 to vector<512x128xi32>
    %add3A_277 = arith.addi %iota3A, %add3A_276 : vector<512x128xi32>
    %get3A_278 = arith.constant 0 : index
    %get3A_279 = arith.constant 3456 : index
    %get3A_280 = vector.load %arg5[%get3A_278, %get3A_279] : memref<1x8192xf32, #tpu.memory_space<vmem>>, vector<1x128xf32>
    %add3A_281 = vector.broadcast %get3A_280 : vector<1x128xf32> to vector<512x128xf32>
    %add3A_282 = arith.addf %broadcast_in_dim3A_6, %add3A_281 : vector<512x128xf32>
    %slice3A_283 = vector.extract_strided_slice %dot_general3A_10 {offsets = [0, 3456], sizes = [512, 128], strides = [1, 1]} : vector<512x8192xf32> to vector<512x128xf32>
    %sub3A_284 = arith.subf %add3A_282, %slice3A_283 : vector<512x128xf32>
    %add3A_285 = arith.constant 3456 : i32
    %add3A_286 = vector.broadcast %add3A_285 : i32 to vector<512x128xi32>
    %add3A_287 = arith.addi %iota3A, %add3A_286 : vector<512x128xi32>
    %get3A_288 = arith.constant 0 : index
    %get3A_289 = arith.constant 3584 : index
    %get3A_290 = vector.load %arg5[%get3A_288, %get3A_289] : memref<1x8192xf32, #tpu.memory_space<vmem>>, vector<1x128xf32>
    %add3A_291 = vector.broadcast %get3A_290 : vector<1x128xf32> to vector<512x128xf32>
    %add3A_292 = arith.addf %broadcast_in_dim3A_6, %add3A_291 : vector<512x128xf32>
    %slice3A_293 = vector.extract_strided_slice %dot_general3A_10 {offsets = [0, 3584], sizes = [512, 128], strides = [1, 1]} : vector<512x8192xf32> to vector<512x128xf32>
    %sub3A_294 = arith.subf %add3A_292, %slice3A_293 : vector<512x128xf32>
    %add3A_295 = arith.constant 3584 : i32
    %add3A_296 = vector.broadcast %add3A_295 : i32 to vector<512x128xi32>
    %add3A_297 = arith.addi %iota3A, %add3A_296 : vector<512x128xi32>
    %get3A_298 = arith.constant 0 : index
    %get3A_299 = arith.constant 3712 : index
    %get3A_300 = vector.load %arg5[%get3A_298, %get3A_299] : memref<1x8192xf32, #tpu.memory_space<vmem>>, vector<1x128xf32>
    %add3A_301 = vector.broadcast %get3A_300 : vector<1x128xf32> to vector<512x128xf32>
    %add3A_302 = arith.addf %broadcast_in_dim3A_6, %add3A_301 : vector<512x128xf32>
    %slice3A_303 = vector.extract_strided_slice %dot_general3A_10 {offsets = [0, 3712], sizes = [512, 128], strides = [1, 1]} : vector<512x8192xf32> to vector<512x128xf32>
    %sub3A_304 = arith.subf %add3A_302, %slice3A_303 : vector<512x128xf32>
    %add3A_305 = arith.constant 3712 : i32
    %add3A_306 = vector.broadcast %add3A_305 : i32 to vector<512x128xi32>
    %add3A_307 = arith.addi %iota3A, %add3A_306 : vector<512x128xi32>
    %get3A_308 = arith.constant 0 : index
    %get3A_309 = arith.constant 3840 : index
    %get3A_310 = vector.load %arg5[%get3A_308, %get3A_309] : memref<1x8192xf32, #tpu.memory_space<vmem>>, vector<1x128xf32>
    %add3A_311 = vector.broadcast %get3A_310 : vector<1x128xf32> to vector<512x128xf32>
    %add3A_312 = arith.addf %broadcast_in_dim3A_6, %add3A_311 : vector<512x128xf32>
    %slice3A_313 = vector.extract_strided_slice %dot_general3A_10 {offsets = [0, 3840], sizes = [512, 128], strides = [1, 1]} : vector<512x8192xf32> to vector<512x128xf32>
    %sub3A_314 = arith.subf %add3A_312, %slice3A_313 : vector<512x128xf32>
    %add3A_315 = arith.constant 3840 : i32
    %add3A_316 = vector.broadcast %add3A_315 : i32 to vector<512x128xi32>
    %add3A_317 = arith.addi %iota3A, %add3A_316 : vector<512x128xi32>
    %get3A_318 = arith.constant 0 : index
    %get3A_319 = arith.constant 3968 : index
    %get3A_320 = vector.load %arg5[%get3A_318, %get3A_319] : memref<1x8192xf32, #tpu.memory_space<vmem>>, vector<1x128xf32>
    %add3A_321 = vector.broadcast %get3A_320 : vector<1x128xf32> to vector<512x128xf32>
    %add3A_322 = arith.addf %broadcast_in_dim3A_6, %add3A_321 : vector<512x128xf32>
    %slice3A_323 = vector.extract_strided_slice %dot_general3A_10 {offsets = [0, 3968], sizes = [512, 128], strides = [1, 1]} : vector<512x8192xf32> to vector<512x128xf32>
    %sub3A_324 = arith.subf %add3A_322, %slice3A_323 : vector<512x128xf32>
    %add3A_325 = arith.constant 3968 : i32
    %add3A_326 = vector.broadcast %add3A_325 : i32 to vector<512x128xi32>
    %add3A_327 = arith.addi %iota3A, %add3A_326 : vector<512x128xi32>
    %get3A_328 = arith.constant 0 : index
    %get3A_329 = arith.constant 4096 : index
    %get3A_330 = vector.load %arg5[%get3A_328, %get3A_329] : memref<1x8192xf32, #tpu.memory_space<vmem>>, vector<1x128xf32>
    %add3A_331 = vector.broadcast %get3A_330 : vector<1x128xf32> to vector<512x128xf32>
    %add3A_332 = arith.addf %broadcast_in_dim3A_6, %add3A_331 : vector<512x128xf32>
    %slice3A_333 = vector.extract_strided_slice %dot_general3A_10 {offsets = [0, 4096], sizes = [512, 128], strides = [1, 1]} : vector<512x8192xf32> to vector<512x128xf32>
    %sub3A_334 = arith.subf %add3A_332, %slice3A_333 : vector<512x128xf32>
    %add3A_335 = arith.constant 4096 : i32
    %add3A_336 = vector.broadcast %add3A_335 : i32 to vector<512x128xi32>
    %add3A_337 = arith.addi %iota3A, %add3A_336 : vector<512x128xi32>
    %get3A_338 = arith.constant 0 : index
    %get3A_339 = arith.constant 4224 : index
    %get3A_340 = vector.load %arg5[%get3A_338, %get3A_339] : memref<1x8192xf32, #tpu.memory_space<vmem>>, vector<1x128xf32>
    %add3A_341 = vector.broadcast %get3A_340 : vector<1x128xf32> to vector<512x128xf32>
    %add3A_342 = arith.addf %broadcast_in_dim3A_6, %add3A_341 : vector<512x128xf32>
    %slice3A_343 = vector.extract_strided_slice %dot_general3A_10 {offsets = [0, 4224], sizes = [512, 128], strides = [1, 1]} : vector<512x8192xf32> to vector<512x128xf32>
    %sub3A_344 = arith.subf %add3A_342, %slice3A_343 : vector<512x128xf32>
    %add3A_345 = arith.constant 4224 : i32
    %add3A_346 = vector.broadcast %add3A_345 : i32 to vector<512x128xi32>
    %add3A_347 = arith.addi %iota3A, %add3A_346 : vector<512x128xi32>
    %get3A_348 = arith.constant 0 : index
    %get3A_349 = arith.constant 4352 : index
    %get3A_350 = vector.load %arg5[%get3A_348, %get3A_349] : memref<1x8192xf32, #tpu.memory_space<vmem>>, vector<1x128xf32>
    %add3A_351 = vector.broadcast %get3A_350 : vector<1x128xf32> to vector<512x128xf32>
    %add3A_352 = arith.addf %broadcast_in_dim3A_6, %add3A_351 : vector<512x128xf32>
    %slice3A_353 = vector.extract_strided_slice %dot_general3A_10 {offsets = [0, 4352], sizes = [512, 128], strides = [1, 1]} : vector<512x8192xf32> to vector<512x128xf32>
    %sub3A_354 = arith.subf %add3A_352, %slice3A_353 : vector<512x128xf32>
    %add3A_355 = arith.constant 4352 : i32
    %add3A_356 = vector.broadcast %add3A_355 : i32 to vector<512x128xi32>
    %add3A_357 = arith.addi %iota3A, %add3A_356 : vector<512x128xi32>
    %get3A_358 = arith.constant 0 : index
    %get3A_359 = arith.constant 4480 : index
    %get3A_360 = vector.load %arg5[%get3A_358, %get3A_359] : memref<1x8192xf32, #tpu.memory_space<vmem>>, vector<1x128xf32>
    %add3A_361 = vector.broadcast %get3A_360 : vector<1x128xf32> to vector<512x128xf32>
    %add3A_362 = arith.addf %broadcast_in_dim3A_6, %add3A_361 : vector<512x128xf32>
    %slice3A_363 = vector.extract_strided_slice %dot_general3A_10 {offsets = [0, 4480], sizes = [512, 128], strides = [1, 1]} : vector<512x8192xf32> to vector<512x128xf32>
    %sub3A_364 = arith.subf %add3A_362, %slice3A_363 : vector<512x128xf32>
    %add3A_365 = arith.constant 4480 : i32
    %add3A_366 = vector.broadcast %add3A_365 : i32 to vector<512x128xi32>
    %add3A_367 = arith.addi %iota3A, %add3A_366 : vector<512x128xi32>
    %get3A_368 = arith.constant 0 : index
    %get3A_369 = arith.constant 4608 : index
    %get3A_370 = vector.load %arg5[%get3A_368, %get3A_369] : memref<1x8192xf32, #tpu.memory_space<vmem>>, vector<1x128xf32>
    %add3A_371 = vector.broadcast %get3A_370 : vector<1x128xf32> to vector<512x128xf32>
    %add3A_372 = arith.addf %broadcast_in_dim3A_6, %add3A_371 : vector<512x128xf32>
    %slice3A_373 = vector.extract_strided_slice %dot_general3A_10 {offsets = [0, 4608], sizes = [512, 128], strides = [1, 1]} : vector<512x8192xf32> to vector<512x128xf32>
    %sub3A_374 = arith.subf %add3A_372, %slice3A_373 : vector<512x128xf32>
    %add3A_375 = arith.constant 4608 : i32
    %add3A_376 = vector.broadcast %add3A_375 : i32 to vector<512x128xi32>
    %add3A_377 = arith.addi %iota3A, %add3A_376 : vector<512x128xi32>
    %get3A_378 = arith.constant 0 : index
    %get3A_379 = arith.constant 4736 : index
    %get3A_380 = vector.load %arg5[%get3A_378, %get3A_379] : memref<1x8192xf32, #tpu.memory_space<vmem>>, vector<1x128xf32>
    %add3A_381 = vector.broadcast %get3A_380 : vector<1x128xf32> to vector<512x128xf32>
    %add3A_382 = arith.addf %broadcast_in_dim3A_6, %add3A_381 : vector<512x128xf32>
    %slice3A_383 = vector.extract_strided_slice %dot_general3A_10 {offsets = [0, 4736], sizes = [512, 128], strides = [1, 1]} : vector<512x8192xf32> to vector<512x128xf32>
    %sub3A_384 = arith.subf %add3A_382, %slice3A_383 : vector<512x128xf32>
    %add3A_385 = arith.constant 4736 : i32
    %add3A_386 = vector.broadcast %add3A_385 : i32 to vector<512x128xi32>
    %add3A_387 = arith.addi %iota3A, %add3A_386 : vector<512x128xi32>
    %get3A_388 = arith.constant 0 : index
    %get3A_389 = arith.constant 4864 : index
    %get3A_390 = vector.load %arg5[%get3A_388, %get3A_389] : memref<1x8192xf32, #tpu.memory_space<vmem>>, vector<1x128xf32>
    %add3A_391 = vector.broadcast %get3A_390 : vector<1x128xf32> to vector<512x128xf32>
    %add3A_392 = arith.addf %broadcast_in_dim3A_6, %add3A_391 : vector<512x128xf32>
    %slice3A_393 = vector.extract_strided_slice %dot_general3A_10 {offsets = [0, 4864], sizes = [512, 128], strides = [1, 1]} : vector<512x8192xf32> to vector<512x128xf32>
    %sub3A_394 = arith.subf %add3A_392, %slice3A_393 : vector<512x128xf32>
    %add3A_395 = arith.constant 4864 : i32
    %add3A_396 = vector.broadcast %add3A_395 : i32 to vector<512x128xi32>
    %add3A_397 = arith.addi %iota3A, %add3A_396 : vector<512x128xi32>
    %get3A_398 = arith.constant 0 : index
    %get3A_399 = arith.constant 4992 : index
    %get3A_400 = vector.load %arg5[%get3A_398, %get3A_399] : memref<1x8192xf32, #tpu.memory_space<vmem>>, vector<1x128xf32>
    %add3A_401 = vector.broadcast %get3A_400 : vector<1x128xf32> to vector<512x128xf32>
    %add3A_402 = arith.addf %broadcast_in_dim3A_6, %add3A_401 : vector<512x128xf32>
    %slice3A_403 = vector.extract_strided_slice %dot_general3A_10 {offsets = [0, 4992], sizes = [512, 128], strides = [1, 1]} : vector<512x8192xf32> to vector<512x128xf32>
    %sub3A_404 = arith.subf %add3A_402, %slice3A_403 : vector<512x128xf32>
    %add3A_405 = arith.constant 4992 : i32
    %add3A_406 = vector.broadcast %add3A_405 : i32 to vector<512x128xi32>
    %add3A_407 = arith.addi %iota3A, %add3A_406 : vector<512x128xi32>
    %get3A_408 = arith.constant 0 : index
    %get3A_409 = arith.constant 5120 : index
    %get3A_410 = vector.load %arg5[%get3A_408, %get3A_409] : memref<1x8192xf32, #tpu.memory_space<vmem>>, vector<1x128xf32>
    %add3A_411 = vector.broadcast %get3A_410 : vector<1x128xf32> to vector<512x128xf32>
    %add3A_412 = arith.addf %broadcast_in_dim3A_6, %add3A_411 : vector<512x128xf32>
    %slice3A_413 = vector.extract_strided_slice %dot_general3A_10 {offsets = [0, 5120], sizes = [512, 128], strides = [1, 1]} : vector<512x8192xf32> to vector<512x128xf32>
    %sub3A_414 = arith.subf %add3A_412, %slice3A_413 : vector<512x128xf32>
    %add3A_415 = arith.constant 5120 : i32
    %add3A_416 = vector.broadcast %add3A_415 : i32 to vector<512x128xi32>
    %add3A_417 = arith.addi %iota3A, %add3A_416 : vector<512x128xi32>
    %get3A_418 = arith.constant 0 : index
    %get3A_419 = arith.constant 5248 : index
    %get3A_420 = vector.load %arg5[%get3A_418, %get3A_419] : memref<1x8192xf32, #tpu.memory_space<vmem>>, vector<1x128xf32>
    %add3A_421 = vector.broadcast %get3A_420 : vector<1x128xf32> to vector<512x128xf32>
    %add3A_422 = arith.addf %broadcast_in_dim3A_6, %add3A_421 : vector<512x128xf32>
    %slice3A_423 = vector.extract_strided_slice %dot_general3A_10 {offsets = [0, 5248], sizes = [512, 128], strides = [1, 1]} : vector<512x8192xf32> to vector<512x128xf32>
    %sub3A_424 = arith.subf %add3A_422, %slice3A_423 : vector<512x128xf32>
    %add3A_425 = arith.constant 5248 : i32
    %add3A_426 = vector.broadcast %add3A_425 : i32 to vector<512x128xi32>
    %add3A_427 = arith.addi %iota3A, %add3A_426 : vector<512x128xi32>
    %get3A_428 = arith.constant 0 : index
    %get3A_429 = arith.constant 5376 : index
    %get3A_430 = vector.load %arg5[%get3A_428, %get3A_429] : memref<1x8192xf32, #tpu.memory_space<vmem>>, vector<1x128xf32>
    %add3A_431 = vector.broadcast %get3A_430 : vector<1x128xf32> to vector<512x128xf32>
    %add3A_432 = arith.addf %broadcast_in_dim3A_6, %add3A_431 : vector<512x128xf32>
    %slice3A_433 = vector.extract_strided_slice %dot_general3A_10 {offsets = [0, 5376], sizes = [512, 128], strides = [1, 1]} : vector<512x8192xf32> to vector<512x128xf32>
    %sub3A_434 = arith.subf %add3A_432, %slice3A_433 : vector<512x128xf32>
    %add3A_435 = arith.constant 5376 : i32
    %add3A_436 = vector.broadcast %add3A_435 : i32 to vector<512x128xi32>
    %add3A_437 = arith.addi %iota3A, %add3A_436 : vector<512x128xi32>
    %get3A_438 = arith.constant 0 : index
    %get3A_439 = arith.constant 5504 : index
    %get3A_440 = vector.load %arg5[%get3A_438, %get3A_439] : memref<1x8192xf32, #tpu.memory_space<vmem>>, vector<1x128xf32>
    %add3A_441 = vector.broadcast %get3A_440 : vector<1x128xf32> to vector<512x128xf32>
    %add3A_442 = arith.addf %broadcast_in_dim3A_6, %add3A_441 : vector<512x128xf32>
    %slice3A_443 = vector.extract_strided_slice %dot_general3A_10 {offsets = [0, 5504], sizes = [512, 128], strides = [1, 1]} : vector<512x8192xf32> to vector<512x128xf32>
    %sub3A_444 = arith.subf %add3A_442, %slice3A_443 : vector<512x128xf32>
    %add3A_445 = arith.constant 5504 : i32
    %add3A_446 = vector.broadcast %add3A_445 : i32 to vector<512x128xi32>
    %add3A_447 = arith.addi %iota3A, %add3A_446 : vector<512x128xi32>
    %get3A_448 = arith.constant 0 : index
    %get3A_449 = arith.constant 5632 : index
    %get3A_450 = vector.load %arg5[%get3A_448, %get3A_449] : memref<1x8192xf32, #tpu.memory_space<vmem>>, vector<1x128xf32>
    %add3A_451 = vector.broadcast %get3A_450 : vector<1x128xf32> to vector<512x128xf32>
    %add3A_452 = arith.addf %broadcast_in_dim3A_6, %add3A_451 : vector<512x128xf32>
    %slice3A_453 = vector.extract_strided_slice %dot_general3A_10 {offsets = [0, 5632], sizes = [512, 128], strides = [1, 1]} : vector<512x8192xf32> to vector<512x128xf32>
    %sub3A_454 = arith.subf %add3A_452, %slice3A_453 : vector<512x128xf32>
    %add3A_455 = arith.constant 5632 : i32
    %add3A_456 = vector.broadcast %add3A_455 : i32 to vector<512x128xi32>
    %add3A_457 = arith.addi %iota3A, %add3A_456 : vector<512x128xi32>
    %get3A_458 = arith.constant 0 : index
    %get3A_459 = arith.constant 5760 : index
    %get3A_460 = vector.load %arg5[%get3A_458, %get3A_459] : memref<1x8192xf32, #tpu.memory_space<vmem>>, vector<1x128xf32>
    %add3A_461 = vector.broadcast %get3A_460 : vector<1x128xf32> to vector<512x128xf32>
    %add3A_462 = arith.addf %broadcast_in_dim3A_6, %add3A_461 : vector<512x128xf32>
    %slice3A_463 = vector.extract_strided_slice %dot_general3A_10 {offsets = [0, 5760], sizes = [512, 128], strides = [1, 1]} : vector<512x8192xf32> to vector<512x128xf32>
    %sub3A_464 = arith.subf %add3A_462, %slice3A_463 : vector<512x128xf32>
    %add3A_465 = arith.constant 5760 : i32
    %add3A_466 = vector.broadcast %add3A_465 : i32 to vector<512x128xi32>
    %add3A_467 = arith.addi %iota3A, %add3A_466 : vector<512x128xi32>
    %get3A_468 = arith.constant 0 : index
    %get3A_469 = arith.constant 5888 : index
    %get3A_470 = vector.load %arg5[%get3A_468, %get3A_469] : memref<1x8192xf32, #tpu.memory_space<vmem>>, vector<1x128xf32>
    %add3A_471 = vector.broadcast %get3A_470 : vector<1x128xf32> to vector<512x128xf32>
    %add3A_472 = arith.addf %broadcast_in_dim3A_6, %add3A_471 : vector<512x128xf32>
    %slice3A_473 = vector.extract_strided_slice %dot_general3A_10 {offsets = [0, 5888], sizes = [512, 128], strides = [1, 1]} : vector<512x8192xf32> to vector<512x128xf32>
    %sub3A_474 = arith.subf %add3A_472, %slice3A_473 : vector<512x128xf32>
    %add3A_475 = arith.constant 5888 : i32
    %add3A_476 = vector.broadcast %add3A_475 : i32 to vector<512x128xi32>
    %add3A_477 = arith.addi %iota3A, %add3A_476 : vector<512x128xi32>
    %get3A_478 = arith.constant 0 : index
    %get3A_479 = arith.constant 6016 : index
    %get3A_480 = vector.load %arg5[%get3A_478, %get3A_479] : memref<1x8192xf32, #tpu.memory_space<vmem>>, vector<1x128xf32>
    %add3A_481 = vector.broadcast %get3A_480 : vector<1x128xf32> to vector<512x128xf32>
    %add3A_482 = arith.addf %broadcast_in_dim3A_6, %add3A_481 : vector<512x128xf32>
    %slice3A_483 = vector.extract_strided_slice %dot_general3A_10 {offsets = [0, 6016], sizes = [512, 128], strides = [1, 1]} : vector<512x8192xf32> to vector<512x128xf32>
    %sub3A_484 = arith.subf %add3A_482, %slice3A_483 : vector<512x128xf32>
    %add3A_485 = arith.constant 6016 : i32
    %add3A_486 = vector.broadcast %add3A_485 : i32 to vector<512x128xi32>
    %add3A_487 = arith.addi %iota3A, %add3A_486 : vector<512x128xi32>
    %get3A_488 = arith.constant 0 : index
    %get3A_489 = arith.constant 6144 : index
    %get3A_490 = vector.load %arg5[%get3A_488, %get3A_489] : memref<1x8192xf32, #tpu.memory_space<vmem>>, vector<1x128xf32>
    %add3A_491 = vector.broadcast %get3A_490 : vector<1x128xf32> to vector<512x128xf32>
    %add3A_492 = arith.addf %broadcast_in_dim3A_6, %add3A_491 : vector<512x128xf32>
    %slice3A_493 = vector.extract_strided_slice %dot_general3A_10 {offsets = [0, 6144], sizes = [512, 128], strides = [1, 1]} : vector<512x8192xf32> to vector<512x128xf32>
    %sub3A_494 = arith.subf %add3A_492, %slice3A_493 : vector<512x128xf32>
    %add3A_495 = arith.constant 6144 : i32
    %add3A_496 = vector.broadcast %add3A_495 : i32 to vector<512x128xi32>
    %add3A_497 = arith.addi %iota3A, %add3A_496 : vector<512x128xi32>
    %get3A_498 = arith.constant 0 : index
    %get3A_499 = arith.constant 6272 : index
    %get3A_500 = vector.load %arg5[%get3A_498, %get3A_499] : memref<1x8192xf32, #tpu.memory_space<vmem>>, vector<1x128xf32>
    %add3A_501 = vector.broadcast %get3A_500 : vector<1x128xf32> to vector<512x128xf32>
    %add3A_502 = arith.addf %broadcast_in_dim3A_6, %add3A_501 : vector<512x128xf32>
    %slice3A_503 = vector.extract_strided_slice %dot_general3A_10 {offsets = [0, 6272], sizes = [512, 128], strides = [1, 1]} : vector<512x8192xf32> to vector<512x128xf32>
    %sub3A_504 = arith.subf %add3A_502, %slice3A_503 : vector<512x128xf32>
    %add3A_505 = arith.constant 6272 : i32
    %add3A_506 = vector.broadcast %add3A_505 : i32 to vector<512x128xi32>
    %add3A_507 = arith.addi %iota3A, %add3A_506 : vector<512x128xi32>
    %get3A_508 = arith.constant 0 : index
    %get3A_509 = arith.constant 6400 : index
    %get3A_510 = vector.load %arg5[%get3A_508, %get3A_509] : memref<1x8192xf32, #tpu.memory_space<vmem>>, vector<1x128xf32>
    %add3A_511 = vector.broadcast %get3A_510 : vector<1x128xf32> to vector<512x128xf32>
    %add3A_512 = arith.addf %broadcast_in_dim3A_6, %add3A_511 : vector<512x128xf32>
    %slice3A_513 = vector.extract_strided_slice %dot_general3A_10 {offsets = [0, 6400], sizes = [512, 128], strides = [1, 1]} : vector<512x8192xf32> to vector<512x128xf32>
    %sub3A_514 = arith.subf %add3A_512, %slice3A_513 : vector<512x128xf32>
    %add3A_515 = arith.constant 6400 : i32
    %add3A_516 = vector.broadcast %add3A_515 : i32 to vector<512x128xi32>
    %add3A_517 = arith.addi %iota3A, %add3A_516 : vector<512x128xi32>
    %get3A_518 = arith.constant 0 : index
    %get3A_519 = arith.constant 6528 : index
    %get3A_520 = vector.load %arg5[%get3A_518, %get3A_519] : memref<1x8192xf32, #tpu.memory_space<vmem>>, vector<1x128xf32>
    %add3A_521 = vector.broadcast %get3A_520 : vector<1x128xf32> to vector<512x128xf32>
    %add3A_522 = arith.addf %broadcast_in_dim3A_6, %add3A_521 : vector<512x128xf32>
    %slice3A_523 = vector.extract_strided_slice %dot_general3A_10 {offsets = [0, 6528], sizes = [512, 128], strides = [1, 1]} : vector<512x8192xf32> to vector<512x128xf32>
    %sub3A_524 = arith.subf %add3A_522, %slice3A_523 : vector<512x128xf32>
    %add3A_525 = arith.constant 6528 : i32
    %add3A_526 = vector.broadcast %add3A_525 : i32 to vector<512x128xi32>
    %add3A_527 = arith.addi %iota3A, %add3A_526 : vector<512x128xi32>
    %get3A_528 = arith.constant 0 : index
    %get3A_529 = arith.constant 6656 : index
    %get3A_530 = vector.load %arg5[%get3A_528, %get3A_529] : memref<1x8192xf32, #tpu.memory_space<vmem>>, vector<1x128xf32>
    %add3A_531 = vector.broadcast %get3A_530 : vector<1x128xf32> to vector<512x128xf32>
    %add3A_532 = arith.addf %broadcast_in_dim3A_6, %add3A_531 : vector<512x128xf32>
    %slice3A_533 = vector.extract_strided_slice %dot_general3A_10 {offsets = [0, 6656], sizes = [512, 128], strides = [1, 1]} : vector<512x8192xf32> to vector<512x128xf32>
    %sub3A_534 = arith.subf %add3A_532, %slice3A_533 : vector<512x128xf32>
    %add3A_535 = arith.constant 6656 : i32
    %add3A_536 = vector.broadcast %add3A_535 : i32 to vector<512x128xi32>
    %add3A_537 = arith.addi %iota3A, %add3A_536 : vector<512x128xi32>
    %get3A_538 = arith.constant 0 : index
    %get3A_539 = arith.constant 6784 : index
    %get3A_540 = vector.load %arg5[%get3A_538, %get3A_539] : memref<1x8192xf32, #tpu.memory_space<vmem>>, vector<1x128xf32>
    %add3A_541 = vector.broadcast %get3A_540 : vector<1x128xf32> to vector<512x128xf32>
    %add3A_542 = arith.addf %broadcast_in_dim3A_6, %add3A_541 : vector<512x128xf32>
    %slice3A_543 = vector.extract_strided_slice %dot_general3A_10 {offsets = [0, 6784], sizes = [512, 128], strides = [1, 1]} : vector<512x8192xf32> to vector<512x128xf32>
    %sub3A_544 = arith.subf %add3A_542, %slice3A_543 : vector<512x128xf32>
    %add3A_545 = arith.constant 6784 : i32
    %add3A_546 = vector.broadcast %add3A_545 : i32 to vector<512x128xi32>
    %add3A_547 = arith.addi %iota3A, %add3A_546 : vector<512x128xi32>
    %get3A_548 = arith.constant 0 : index
    %get3A_549 = arith.constant 6912 : index
    %get3A_550 = vector.load %arg5[%get3A_548, %get3A_549] : memref<1x8192xf32, #tpu.memory_space<vmem>>, vector<1x128xf32>
    %add3A_551 = vector.broadcast %get3A_550 : vector<1x128xf32> to vector<512x128xf32>
    %add3A_552 = arith.addf %broadcast_in_dim3A_6, %add3A_551 : vector<512x128xf32>
    %slice3A_553 = vector.extract_strided_slice %dot_general3A_10 {offsets = [0, 6912], sizes = [512, 128], strides = [1, 1]} : vector<512x8192xf32> to vector<512x128xf32>
    %sub3A_554 = arith.subf %add3A_552, %slice3A_553 : vector<512x128xf32>
    %add3A_555 = arith.constant 6912 : i32
    %add3A_556 = vector.broadcast %add3A_555 : i32 to vector<512x128xi32>
    %add3A_557 = arith.addi %iota3A, %add3A_556 : vector<512x128xi32>
    %get3A_558 = arith.constant 0 : index
    %get3A_559 = arith.constant 7040 : index
    %get3A_560 = vector.load %arg5[%get3A_558, %get3A_559] : memref<1x8192xf32, #tpu.memory_space<vmem>>, vector<1x128xf32>
    %add3A_561 = vector.broadcast %get3A_560 : vector<1x128xf32> to vector<512x128xf32>
    %add3A_562 = arith.addf %broadcast_in_dim3A_6, %add3A_561 : vector<512x128xf32>
    %slice3A_563 = vector.extract_strided_slice %dot_general3A_10 {offsets = [0, 7040], sizes = [512, 128], strides = [1, 1]} : vector<512x8192xf32> to vector<512x128xf32>
    %sub3A_564 = arith.subf %add3A_562, %slice3A_563 : vector<512x128xf32>
    %add3A_565 = arith.constant 7040 : i32
    %add3A_566 = vector.broadcast %add3A_565 : i32 to vector<512x128xi32>
    %add3A_567 = arith.addi %iota3A, %add3A_566 : vector<512x128xi32>
    %get3A_568 = arith.constant 0 : index
    %get3A_569 = arith.constant 7168 : index
    %get3A_570 = vector.load %arg5[%get3A_568, %get3A_569] : memref<1x8192xf32, #tpu.memory_space<vmem>>, vector<1x128xf32>
    %add3A_571 = vector.broadcast %get3A_570 : vector<1x128xf32> to vector<512x128xf32>
    %add3A_572 = arith.addf %broadcast_in_dim3A_6, %add3A_571 : vector<512x128xf32>
    %slice3A_573 = vector.extract_strided_slice %dot_general3A_10 {offsets = [0, 7168], sizes = [512, 128], strides = [1, 1]} : vector<512x8192xf32> to vector<512x128xf32>
    %sub3A_574 = arith.subf %add3A_572, %slice3A_573 : vector<512x128xf32>
    %add3A_575 = arith.constant 7168 : i32
    %add3A_576 = vector.broadcast %add3A_575 : i32 to vector<512x128xi32>
    %add3A_577 = arith.addi %iota3A, %add3A_576 : vector<512x128xi32>
    %get3A_578 = arith.constant 0 : index
    %get3A_579 = arith.constant 7296 : index
    %get3A_580 = vector.load %arg5[%get3A_578, %get3A_579] : memref<1x8192xf32, #tpu.memory_space<vmem>>, vector<1x128xf32>
    %add3A_581 = vector.broadcast %get3A_580 : vector<1x128xf32> to vector<512x128xf32>
    %add3A_582 = arith.addf %broadcast_in_dim3A_6, %add3A_581 : vector<512x128xf32>
    %slice3A_583 = vector.extract_strided_slice %dot_general3A_10 {offsets = [0, 7296], sizes = [512, 128], strides = [1, 1]} : vector<512x8192xf32> to vector<512x128xf32>
    %sub3A_584 = arith.subf %add3A_582, %slice3A_583 : vector<512x128xf32>
    %add3A_585 = arith.constant 7296 : i32
    %add3A_586 = vector.broadcast %add3A_585 : i32 to vector<512x128xi32>
    %add3A_587 = arith.addi %iota3A, %add3A_586 : vector<512x128xi32>
    %get3A_588 = arith.constant 0 : index
    %get3A_589 = arith.constant 7424 : index
    %get3A_590 = vector.load %arg5[%get3A_588, %get3A_589] : memref<1x8192xf32, #tpu.memory_space<vmem>>, vector<1x128xf32>
    %add3A_591 = vector.broadcast %get3A_590 : vector<1x128xf32> to vector<512x128xf32>
    %add3A_592 = arith.addf %broadcast_in_dim3A_6, %add3A_591 : vector<512x128xf32>
    %slice3A_593 = vector.extract_strided_slice %dot_general3A_10 {offsets = [0, 7424], sizes = [512, 128], strides = [1, 1]} : vector<512x8192xf32> to vector<512x128xf32>
    %sub3A_594 = arith.subf %add3A_592, %slice3A_593 : vector<512x128xf32>
    %add3A_595 = arith.constant 7424 : i32
    %add3A_596 = vector.broadcast %add3A_595 : i32 to vector<512x128xi32>
    %add3A_597 = arith.addi %iota3A, %add3A_596 : vector<512x128xi32>
    %get3A_598 = arith.constant 0 : index
    %get3A_599 = arith.constant 7552 : index
    %get3A_600 = vector.load %arg5[%get3A_598, %get3A_599] : memref<1x8192xf32, #tpu.memory_space<vmem>>, vector<1x128xf32>
    %add3A_601 = vector.broadcast %get3A_600 : vector<1x128xf32> to vector<512x128xf32>
    %add3A_602 = arith.addf %broadcast_in_dim3A_6, %add3A_601 : vector<512x128xf32>
    %slice3A_603 = vector.extract_strided_slice %dot_general3A_10 {offsets = [0, 7552], sizes = [512, 128], strides = [1, 1]} : vector<512x8192xf32> to vector<512x128xf32>
    %sub3A_604 = arith.subf %add3A_602, %slice3A_603 : vector<512x128xf32>
    %add3A_605 = arith.constant 7552 : i32
    %add3A_606 = vector.broadcast %add3A_605 : i32 to vector<512x128xi32>
    %add3A_607 = arith.addi %iota3A, %add3A_606 : vector<512x128xi32>
    %get3A_608 = arith.constant 0 : index
    %get3A_609 = arith.constant 7680 : index
    %get3A_610 = vector.load %arg5[%get3A_608, %get3A_609] : memref<1x8192xf32, #tpu.memory_space<vmem>>, vector<1x128xf32>
    %add3A_611 = vector.broadcast %get3A_610 : vector<1x128xf32> to vector<512x128xf32>
    %add3A_612 = arith.addf %broadcast_in_dim3A_6, %add3A_611 : vector<512x128xf32>
    %slice3A_613 = vector.extract_strided_slice %dot_general3A_10 {offsets = [0, 7680], sizes = [512, 128], strides = [1, 1]} : vector<512x8192xf32> to vector<512x128xf32>
    %sub3A_614 = arith.subf %add3A_612, %slice3A_613 : vector<512x128xf32>
    %add3A_615 = arith.constant 7680 : i32
    %add3A_616 = vector.broadcast %add3A_615 : i32 to vector<512x128xi32>
    %add3A_617 = arith.addi %iota3A, %add3A_616 : vector<512x128xi32>
    %get3A_618 = arith.constant 0 : index
    %get3A_619 = arith.constant 7808 : index
    %get3A_620 = vector.load %arg5[%get3A_618, %get3A_619] : memref<1x8192xf32, #tpu.memory_space<vmem>>, vector<1x128xf32>
    %add3A_621 = vector.broadcast %get3A_620 : vector<1x128xf32> to vector<512x128xf32>
    %add3A_622 = arith.addf %broadcast_in_dim3A_6, %add3A_621 : vector<512x128xf32>
    %slice3A_623 = vector.extract_strided_slice %dot_general3A_10 {offsets = [0, 7808], sizes = [512, 128], strides = [1, 1]} : vector<512x8192xf32> to vector<512x128xf32>
    %sub3A_624 = arith.subf %add3A_622, %slice3A_623 : vector<512x128xf32>
    %add3A_625 = arith.constant 7808 : i32
    %add3A_626 = vector.broadcast %add3A_625 : i32 to vector<512x128xi32>
    %add3A_627 = arith.addi %iota3A, %add3A_626 : vector<512x128xi32>
    %get3A_628 = arith.constant 0 : index
    %get3A_629 = arith.constant 7936 : index
    %get3A_630 = vector.load %arg5[%get3A_628, %get3A_629] : memref<1x8192xf32, #tpu.memory_space<vmem>>, vector<1x128xf32>
    %add3A_631 = vector.broadcast %get3A_630 : vector<1x128xf32> to vector<512x128xf32>
    %add3A_632 = arith.addf %broadcast_in_dim3A_6, %add3A_631 : vector<512x128xf32>
    %slice3A_633 = vector.extract_strided_slice %dot_general3A_10 {offsets = [0, 7936], sizes = [512, 128], strides = [1, 1]} : vector<512x8192xf32> to vector<512x128xf32>
    %sub3A_634 = arith.subf %add3A_632, %slice3A_633 : vector<512x128xf32>
    %add3A_635 = arith.constant 7936 : i32
    %add3A_636 = vector.broadcast %add3A_635 : i32 to vector<512x128xi32>
    %add3A_637 = arith.addi %iota3A, %add3A_636 : vector<512x128xi32>
    %get3A_638 = arith.constant 0 : index
    %get3A_639 = arith.constant 8064 : index
    %get3A_640 = vector.load %arg5[%get3A_638, %get3A_639] : memref<1x8192xf32, #tpu.memory_space<vmem>>, vector<1x128xf32>
    %add3A_641 = vector.broadcast %get3A_640 : vector<1x128xf32> to vector<512x128xf32>
    %add3A_642 = arith.addf %broadcast_in_dim3A_6, %add3A_641 : vector<512x128xf32>
    %slice3A_643 = vector.extract_strided_slice %dot_general3A_10 {offsets = [0, 8064], sizes = [512, 128], strides = [1, 1]} : vector<512x8192xf32> to vector<512x128xf32>
    %sub3A_644 = arith.subf %add3A_642, %slice3A_643 : vector<512x128xf32>
    %add3A_645 = arith.constant 8064 : i32
    %add3A_646 = vector.broadcast %add3A_645 : i32 to vector<512x128xi32>
    %add3A_647 = arith.addi %iota3A, %add3A_646 : vector<512x128xi32>
    %lt3A = arith.cmpf olt, %sub3A_24, %sub3A : vector<512x128xf32>
    %select_n3A = arith.select %lt3A, %sub3A_24, %sub3A : vector<512x128xi1>, vector<512x128xf32>
    %select_n3A_648 = arith.select %lt3A, %add3A_27, %add3A_17 : vector<512x128xi1>, vector<512x128xi32>
    %lt3A_649 = arith.cmpf olt, %sub3A_44, %sub3A_34 : vector<512x128xf32>
    %select_n3A_650 = arith.select %lt3A_649, %sub3A_44, %sub3A_34 : vector<512x128xi1>, vector<512x128xf32>
    %select_n3A_651 = arith.select %lt3A_649, %add3A_47, %add3A_37 : vector<512x128xi1>, vector<512x128xi32>
    %lt3A_652 = arith.cmpf olt, %sub3A_64, %sub3A_54 : vector<512x128xf32>
    %select_n3A_653 = arith.select %lt3A_652, %sub3A_64, %sub3A_54 : vector<512x128xi1>, vector<512x128xf32>
    %select_n3A_654 = arith.select %lt3A_652, %add3A_67, %add3A_57 : vector<512x128xi1>, vector<512x128xi32>
    %lt3A_655 = arith.cmpf olt, %sub3A_84, %sub3A_74 : vector<512x128xf32>
    %select_n3A_656 = arith.select %lt3A_655, %sub3A_84, %sub3A_74 : vector<512x128xi1>, vector<512x128xf32>
    %select_n3A_657 = arith.select %lt3A_655, %add3A_87, %add3A_77 : vector<512x128xi1>, vector<512x128xi32>
    %lt3A_658 = arith.cmpf olt, %sub3A_104, %sub3A_94 : vector<512x128xf32>
    %select_n3A_659 = arith.select %lt3A_658, %sub3A_104, %sub3A_94 : vector<512x128xi1>, vector<512x128xf32>
    %select_n3A_660 = arith.select %lt3A_658, %add3A_107, %add3A_97 : vector<512x128xi1>, vector<512x128xi32>
    %lt3A_661 = arith.cmpf olt, %sub3A_124, %sub3A_114 : vector<512x128xf32>
    %select_n3A_662 = arith.select %lt3A_661, %sub3A_124, %sub3A_114 : vector<512x128xi1>, vector<512x128xf32>
    %select_n3A_663 = arith.select %lt3A_661, %add3A_127, %add3A_117 : vector<512x128xi1>, vector<512x128xi32>
    %lt3A_664 = arith.cmpf olt, %sub3A_144, %sub3A_134 : vector<512x128xf32>
    %select_n3A_665 = arith.select %lt3A_664, %sub3A_144, %sub3A_134 : vector<512x128xi1>, vector<512x128xf32>
    %select_n3A_666 = arith.select %lt3A_664, %add3A_147, %add3A_137 : vector<512x128xi1>, vector<512x128xi32>
    %lt3A_667 = arith.cmpf olt, %sub3A_164, %sub3A_154 : vector<512x128xf32>
    %select_n3A_668 = arith.select %lt3A_667, %sub3A_164, %sub3A_154 : vector<512x128xi1>, vector<512x128xf32>
    %select_n3A_669 = arith.select %lt3A_667, %add3A_167, %add3A_157 : vector<512x128xi1>, vector<512x128xi32>
    %lt3A_670 = arith.cmpf olt, %sub3A_184, %sub3A_174 : vector<512x128xf32>
    %select_n3A_671 = arith.select %lt3A_670, %sub3A_184, %sub3A_174 : vector<512x128xi1>, vector<512x128xf32>
    %select_n3A_672 = arith.select %lt3A_670, %add3A_187, %add3A_177 : vector<512x128xi1>, vector<512x128xi32>
    %lt3A_673 = arith.cmpf olt, %sub3A_204, %sub3A_194 : vector<512x128xf32>
    %select_n3A_674 = arith.select %lt3A_673, %sub3A_204, %sub3A_194 : vector<512x128xi1>, vector<512x128xf32>
    %select_n3A_675 = arith.select %lt3A_673, %add3A_207, %add3A_197 : vector<512x128xi1>, vector<512x128xi32>
    %lt3A_676 = arith.cmpf olt, %sub3A_224, %sub3A_214 : vector<512x128xf32>
    %select_n3A_677 = arith.select %lt3A_676, %sub3A_224, %sub3A_214 : vector<512x128xi1>, vector<512x128xf32>
    %select_n3A_678 = arith.select %lt3A_676, %add3A_227, %add3A_217 : vector<512x128xi1>, vector<512x128xi32>
    %lt3A_679 = arith.cmpf olt, %sub3A_244, %sub3A_234 : vector<512x128xf32>
    %select_n3A_680 = arith.select %lt3A_679, %sub3A_244, %sub3A_234 : vector<512x128xi1>, vector<512x128xf32>
    %select_n3A_681 = arith.select %lt3A_679, %add3A_247, %add3A_237 : vector<512x128xi1>, vector<512x128xi32>
    %lt3A_682 = arith.cmpf olt, %sub3A_264, %sub3A_254 : vector<512x128xf32>
    %select_n3A_683 = arith.select %lt3A_682, %sub3A_264, %sub3A_254 : vector<512x128xi1>, vector<512x128xf32>
    %select_n3A_684 = arith.select %lt3A_682, %add3A_267, %add3A_257 : vector<512x128xi1>, vector<512x128xi32>
    %lt3A_685 = arith.cmpf olt, %sub3A_284, %sub3A_274 : vector<512x128xf32>
    %select_n3A_686 = arith.select %lt3A_685, %sub3A_284, %sub3A_274 : vector<512x128xi1>, vector<512x128xf32>
    %select_n3A_687 = arith.select %lt3A_685, %add3A_287, %add3A_277 : vector<512x128xi1>, vector<512x128xi32>
    %lt3A_688 = arith.cmpf olt, %sub3A_304, %sub3A_294 : vector<512x128xf32>
    %select_n3A_689 = arith.select %lt3A_688, %sub3A_304, %sub3A_294 : vector<512x128xi1>, vector<512x128xf32>
    %select_n3A_690 = arith.select %lt3A_688, %add3A_307, %add3A_297 : vector<512x128xi1>, vector<512x128xi32>
    %lt3A_691 = arith.cmpf olt, %sub3A_324, %sub3A_314 : vector<512x128xf32>
    %select_n3A_692 = arith.select %lt3A_691, %sub3A_324, %sub3A_314 : vector<512x128xi1>, vector<512x128xf32>
    %select_n3A_693 = arith.select %lt3A_691, %add3A_327, %add3A_317 : vector<512x128xi1>, vector<512x128xi32>
    %lt3A_694 = arith.cmpf olt, %sub3A_344, %sub3A_334 : vector<512x128xf32>
    %select_n3A_695 = arith.select %lt3A_694, %sub3A_344, %sub3A_334 : vector<512x128xi1>, vector<512x128xf32>
    %select_n3A_696 = arith.select %lt3A_694, %add3A_347, %add3A_337 : vector<512x128xi1>, vector<512x128xi32>
    %lt3A_697 = arith.cmpf olt, %sub3A_364, %sub3A_354 : vector<512x128xf32>
    %select_n3A_698 = arith.select %lt3A_697, %sub3A_364, %sub3A_354 : vector<512x128xi1>, vector<512x128xf32>
    %select_n3A_699 = arith.select %lt3A_697, %add3A_367, %add3A_357 : vector<512x128xi1>, vector<512x128xi32>
    %lt3A_700 = arith.cmpf olt, %sub3A_384, %sub3A_374 : vector<512x128xf32>
    %select_n3A_701 = arith.select %lt3A_700, %sub3A_384, %sub3A_374 : vector<512x128xi1>, vector<512x128xf32>
    %select_n3A_702 = arith.select %lt3A_700, %add3A_387, %add3A_377 : vector<512x128xi1>, vector<512x128xi32>
    %lt3A_703 = arith.cmpf olt, %sub3A_404, %sub3A_394 : vector<512x128xf32>
    %select_n3A_704 = arith.select %lt3A_703, %sub3A_404, %sub3A_394 : vector<512x128xi1>, vector<512x128xf32>
    %select_n3A_705 = arith.select %lt3A_703, %add3A_407, %add3A_397 : vector<512x128xi1>, vector<512x128xi32>
    %lt3A_706 = arith.cmpf olt, %sub3A_424, %sub3A_414 : vector<512x128xf32>
    %select_n3A_707 = arith.select %lt3A_706, %sub3A_424, %sub3A_414 : vector<512x128xi1>, vector<512x128xf32>
    %select_n3A_708 = arith.select %lt3A_706, %add3A_427, %add3A_417 : vector<512x128xi1>, vector<512x128xi32>
    %lt3A_709 = arith.cmpf olt, %sub3A_444, %sub3A_434 : vector<512x128xf32>
    %select_n3A_710 = arith.select %lt3A_709, %sub3A_444, %sub3A_434 : vector<512x128xi1>, vector<512x128xf32>
    %select_n3A_711 = arith.select %lt3A_709, %add3A_447, %add3A_437 : vector<512x128xi1>, vector<512x128xi32>
    %lt3A_712 = arith.cmpf olt, %sub3A_464, %sub3A_454 : vector<512x128xf32>
    %select_n3A_713 = arith.select %lt3A_712, %sub3A_464, %sub3A_454 : vector<512x128xi1>, vector<512x128xf32>
    %select_n3A_714 = arith.select %lt3A_712, %add3A_467, %add3A_457 : vector<512x128xi1>, vector<512x128xi32>
    %lt3A_715 = arith.cmpf olt, %sub3A_484, %sub3A_474 : vector<512x128xf32>
    %select_n3A_716 = arith.select %lt3A_715, %sub3A_484, %sub3A_474 : vector<512x128xi1>, vector<512x128xf32>
    %select_n3A_717 = arith.select %lt3A_715, %add3A_487, %add3A_477 : vector<512x128xi1>, vector<512x128xi32>
    %lt3A_718 = arith.cmpf olt, %sub3A_504, %sub3A_494 : vector<512x128xf32>
    %select_n3A_719 = arith.select %lt3A_718, %sub3A_504, %sub3A_494 : vector<512x128xi1>, vector<512x128xf32>
    %select_n3A_720 = arith.select %lt3A_718, %add3A_507, %add3A_497 : vector<512x128xi1>, vector<512x128xi32>
    %lt3A_721 = arith.cmpf olt, %sub3A_524, %sub3A_514 : vector<512x128xf32>
    %select_n3A_722 = arith.select %lt3A_721, %sub3A_524, %sub3A_514 : vector<512x128xi1>, vector<512x128xf32>
    %select_n3A_723 = arith.select %lt3A_721, %add3A_527, %add3A_517 : vector<512x128xi1>, vector<512x128xi32>
    %lt3A_724 = arith.cmpf olt, %sub3A_544, %sub3A_534 : vector<512x128xf32>
    %select_n3A_725 = arith.select %lt3A_724, %sub3A_544, %sub3A_534 : vector<512x128xi1>, vector<512x128xf32>
    %select_n3A_726 = arith.select %lt3A_724, %add3A_547, %add3A_537 : vector<512x128xi1>, vector<512x128xi32>
    %lt3A_727 = arith.cmpf olt, %sub3A_564, %sub3A_554 : vector<512x128xf32>
    %select_n3A_728 = arith.select %lt3A_727, %sub3A_564, %sub3A_554 : vector<512x128xi1>, vector<512x128xf32>
    %select_n3A_729 = arith.select %lt3A_727, %add3A_567, %add3A_557 : vector<512x128xi1>, vector<512x128xi32>
    %lt3A_730 = arith.cmpf olt, %sub3A_584, %sub3A_574 : vector<512x128xf32>
    %select_n3A_731 = arith.select %lt3A_730, %sub3A_584, %sub3A_574 : vector<512x128xi1>, vector<512x128xf32>
    %select_n3A_732 = arith.select %lt3A_730, %add3A_587, %add3A_577 : vector<512x128xi1>, vector<512x128xi32>
    %lt3A_733 = arith.cmpf olt, %sub3A_604, %sub3A_594 : vector<512x128xf32>
    %select_n3A_734 = arith.select %lt3A_733, %sub3A_604, %sub3A_594 : vector<512x128xi1>, vector<512x128xf32>
    %select_n3A_735 = arith.select %lt3A_733, %add3A_607, %add3A_597 : vector<512x128xi1>, vector<512x128xi32>
    %lt3A_736 = arith.cmpf olt, %sub3A_624, %sub3A_614 : vector<512x128xf32>
    %select_n3A_737 = arith.select %lt3A_736, %sub3A_624, %sub3A_614 : vector<512x128xi1>, vector<512x128xf32>
    %select_n3A_738 = arith.select %lt3A_736, %add3A_627, %add3A_617 : vector<512x128xi1>, vector<512x128xi32>
    %lt3A_739 = arith.cmpf olt, %sub3A_644, %sub3A_634 : vector<512x128xf32>
    %select_n3A_740 = arith.select %lt3A_739, %sub3A_644, %sub3A_634 : vector<512x128xi1>, vector<512x128xf32>
    %select_n3A_741 = arith.select %lt3A_739, %add3A_647, %add3A_637 : vector<512x128xi1>, vector<512x128xi32>
    %lt3A_742 = arith.cmpf olt, %select_n3A_650, %select_n3A : vector<512x128xf32>
    %select_n3A_743 = arith.select %lt3A_742, %select_n3A_650, %select_n3A : vector<512x128xi1>, vector<512x128xf32>
    %select_n3A_744 = arith.select %lt3A_742, %select_n3A_651, %select_n3A_648 : vector<512x128xi1>, vector<512x128xi32>
    %lt3A_745 = arith.cmpf olt, %select_n3A_656, %select_n3A_653 : vector<512x128xf32>
    %select_n3A_746 = arith.select %lt3A_745, %select_n3A_656, %select_n3A_653 : vector<512x128xi1>, vector<512x128xf32>
    %select_n3A_747 = arith.select %lt3A_745, %select_n3A_657, %select_n3A_654 : vector<512x128xi1>, vector<512x128xi32>
    %lt3A_748 = arith.cmpf olt, %select_n3A_662, %select_n3A_659 : vector<512x128xf32>
    %select_n3A_749 = arith.select %lt3A_748, %select_n3A_662, %select_n3A_659 : vector<512x128xi1>, vector<512x128xf32>
    %select_n3A_750 = arith.select %lt3A_748, %select_n3A_663, %select_n3A_660 : vector<512x128xi1>, vector<512x128xi32>
    %lt3A_751 = arith.cmpf olt, %select_n3A_668, %select_n3A_665 : vector<512x128xf32>
    %select_n3A_752 = arith.select %lt3A_751, %select_n3A_668, %select_n3A_665 : vector<512x128xi1>, vector<512x128xf32>
    %select_n3A_753 = arith.select %lt3A_751, %select_n3A_669, %select_n3A_666 : vector<512x128xi1>, vector<512x128xi32>
    %lt3A_754 = arith.cmpf olt, %select_n3A_674, %select_n3A_671 : vector<512x128xf32>
    %select_n3A_755 = arith.select %lt3A_754, %select_n3A_674, %select_n3A_671 : vector<512x128xi1>, vector<512x128xf32>
    %select_n3A_756 = arith.select %lt3A_754, %select_n3A_675, %select_n3A_672 : vector<512x128xi1>, vector<512x128xi32>
    %lt3A_757 = arith.cmpf olt, %select_n3A_680, %select_n3A_677 : vector<512x128xf32>
    %select_n3A_758 = arith.select %lt3A_757, %select_n3A_680, %select_n3A_677 : vector<512x128xi1>, vector<512x128xf32>
    %select_n3A_759 = arith.select %lt3A_757, %select_n3A_681, %select_n3A_678 : vector<512x128xi1>, vector<512x128xi32>
    %lt3A_760 = arith.cmpf olt, %select_n3A_686, %select_n3A_683 : vector<512x128xf32>
    %select_n3A_761 = arith.select %lt3A_760, %select_n3A_686, %select_n3A_683 : vector<512x128xi1>, vector<512x128xf32>
    %select_n3A_762 = arith.select %lt3A_760, %select_n3A_687, %select_n3A_684 : vector<512x128xi1>, vector<512x128xi32>
    %lt3A_763 = arith.cmpf olt, %select_n3A_692, %select_n3A_689 : vector<512x128xf32>
    %select_n3A_764 = arith.select %lt3A_763, %select_n3A_692, %select_n3A_689 : vector<512x128xi1>, vector<512x128xf32>
    %select_n3A_765 = arith.select %lt3A_763, %select_n3A_693, %select_n3A_690 : vector<512x128xi1>, vector<512x128xi32>
    %lt3A_766 = arith.cmpf olt, %select_n3A_698, %select_n3A_695 : vector<512x128xf32>
    %select_n3A_767 = arith.select %lt3A_766, %select_n3A_698, %select_n3A_695 : vector<512x128xi1>, vector<512x128xf32>
    %select_n3A_768 = arith.select %lt3A_766, %select_n3A_699, %select_n3A_696 : vector<512x128xi1>, vector<512x128xi32>
    %lt3A_769 = arith.cmpf olt, %select_n3A_704, %select_n3A_701 : vector<512x128xf32>
    %select_n3A_770 = arith.select %lt3A_769, %select_n3A_704, %select_n3A_701 : vector<512x128xi1>, vector<512x128xf32>
    %select_n3A_771 = arith.select %lt3A_769, %select_n3A_705, %select_n3A_702 : vector<512x128xi1>, vector<512x128xi32>
    %lt3A_772 = arith.cmpf olt, %select_n3A_710, %select_n3A_707 : vector<512x128xf32>
    %select_n3A_773 = arith.select %lt3A_772, %select_n3A_710, %select_n3A_707 : vector<512x128xi1>, vector<512x128xf32>
    %select_n3A_774 = arith.select %lt3A_772, %select_n3A_711, %select_n3A_708 : vector<512x128xi1>, vector<512x128xi32>
    %lt3A_775 = arith.cmpf olt, %select_n3A_716, %select_n3A_713 : vector<512x128xf32>
    %select_n3A_776 = arith.select %lt3A_775, %select_n3A_716, %select_n3A_713 : vector<512x128xi1>, vector<512x128xf32>
    %select_n3A_777 = arith.select %lt3A_775, %select_n3A_717, %select_n3A_714 : vector<512x128xi1>, vector<512x128xi32>
    %lt3A_778 = arith.cmpf olt, %select_n3A_722, %select_n3A_719 : vector<512x128xf32>
    %select_n3A_779 = arith.select %lt3A_778, %select_n3A_722, %select_n3A_719 : vector<512x128xi1>, vector<512x128xf32>
    %select_n3A_780 = arith.select %lt3A_778, %select_n3A_723, %select_n3A_720 : vector<512x128xi1>, vector<512x128xi32>
    %lt3A_781 = arith.cmpf olt, %select_n3A_728, %select_n3A_725 : vector<512x128xf32>
    %select_n3A_782 = arith.select %lt3A_781, %select_n3A_728, %select_n3A_725 : vector<512x128xi1>, vector<512x128xf32>
    %select_n3A_783 = arith.select %lt3A_781, %select_n3A_729, %select_n3A_726 : vector<512x128xi1>, vector<512x128xi32>
    %lt3A_784 = arith.cmpf olt, %select_n3A_734, %select_n3A_731 : vector<512x128xf32>
    %select_n3A_785 = arith.select %lt3A_784, %select_n3A_734, %select_n3A_731 : vector<512x128xi1>, vector<512x128xf32>
    %select_n3A_786 = arith.select %lt3A_784, %select_n3A_735, %select_n3A_732 : vector<512x128xi1>, vector<512x128xi32>
    %lt3A_787 = arith.cmpf olt, %select_n3A_740, %select_n3A_737 : vector<512x128xf32>
    %select_n3A_788 = arith.select %lt3A_787, %select_n3A_740, %select_n3A_737 : vector<512x128xi1>, vector<512x128xf32>
    %select_n3A_789 = arith.select %lt3A_787, %select_n3A_741, %select_n3A_738 : vector<512x128xi1>, vector<512x128xi32>
    %lt3A_790 = arith.cmpf olt, %select_n3A_746, %select_n3A_743 : vector<512x128xf32>
    %select_n3A_791 = arith.select %lt3A_790, %select_n3A_746, %select_n3A_743 : vector<512x128xi1>, vector<512x128xf32>
    %select_n3A_792 = arith.select %lt3A_790, %select_n3A_747, %select_n3A_744 : vector<512x128xi1>, vector<512x128xi32>
    %lt3A_793 = arith.cmpf olt, %select_n3A_752, %select_n3A_749 : vector<512x128xf32>
    %select_n3A_794 = arith.select %lt3A_793, %select_n3A_752, %select_n3A_749 : vector<512x128xi1>, vector<512x128xf32>
    %select_n3A_795 = arith.select %lt3A_793, %select_n3A_753, %select_n3A_750 : vector<512x128xi1>, vector<512x128xi32>
    %lt3A_796 = arith.cmpf olt, %select_n3A_758, %select_n3A_755 : vector<512x128xf32>
    %select_n3A_797 = arith.select %lt3A_796, %select_n3A_758, %select_n3A_755 : vector<512x128xi1>, vector<512x128xf32>
    %select_n3A_798 = arith.select %lt3A_796, %select_n3A_759, %select_n3A_756 : vector<512x128xi1>, vector<512x128xi32>
    %lt3A_799 = arith.cmpf olt, %select_n3A_764, %select_n3A_761 : vector<512x128xf32>
    %select_n3A_800 = arith.select %lt3A_799, %select_n3A_764, %select_n3A_761 : vector<512x128xi1>, vector<512x128xf32>
    %select_n3A_801 = arith.select %lt3A_799, %select_n3A_765, %select_n3A_762 : vector<512x128xi1>, vector<512x128xi32>
    %lt3A_802 = arith.cmpf olt, %select_n3A_770, %select_n3A_767 : vector<512x128xf32>
    %select_n3A_803 = arith.select %lt3A_802, %select_n3A_770, %select_n3A_767 : vector<512x128xi1>, vector<512x128xf32>
    %select_n3A_804 = arith.select %lt3A_802, %select_n3A_771, %select_n3A_768 : vector<512x128xi1>, vector<512x128xi32>
    %lt3A_805 = arith.cmpf olt, %select_n3A_776, %select_n3A_773 : vector<512x128xf32>
    %select_n3A_806 = arith.select %lt3A_805, %select_n3A_776, %select_n3A_773 : vector<512x128xi1>, vector<512x128xf32>
    %select_n3A_807 = arith.select %lt3A_805, %select_n3A_777, %select_n3A_774 : vector<512x128xi1>, vector<512x128xi32>
    %lt3A_808 = arith.cmpf olt, %select_n3A_782, %select_n3A_779 : vector<512x128xf32>
    %select_n3A_809 = arith.select %lt3A_808, %select_n3A_782, %select_n3A_779 : vector<512x128xi1>, vector<512x128xf32>
    %select_n3A_810 = arith.select %lt3A_808, %select_n3A_783, %select_n3A_780 : vector<512x128xi1>, vector<512x128xi32>
    %lt3A_811 = arith.cmpf olt, %select_n3A_788, %select_n3A_785 : vector<512x128xf32>
    %select_n3A_812 = arith.select %lt3A_811, %select_n3A_788, %select_n3A_785 : vector<512x128xi1>, vector<512x128xf32>
    %select_n3A_813 = arith.select %lt3A_811, %select_n3A_789, %select_n3A_786 : vector<512x128xi1>, vector<512x128xi32>
    %lt3A_814 = arith.cmpf olt, %select_n3A_794, %select_n3A_791 : vector<512x128xf32>
    %select_n3A_815 = arith.select %lt3A_814, %select_n3A_794, %select_n3A_791 : vector<512x128xi1>, vector<512x128xf32>
    %select_n3A_816 = arith.select %lt3A_814, %select_n3A_795, %select_n3A_792 : vector<512x128xi1>, vector<512x128xi32>
    %lt3A_817 = arith.cmpf olt, %select_n3A_800, %select_n3A_797 : vector<512x128xf32>
    %select_n3A_818 = arith.select %lt3A_817, %select_n3A_800, %select_n3A_797 : vector<512x128xi1>, vector<512x128xf32>
    %select_n3A_819 = arith.select %lt3A_817, %select_n3A_801, %select_n3A_798 : vector<512x128xi1>, vector<512x128xi32>
    %lt3A_820 = arith.cmpf olt, %select_n3A_806, %select_n3A_803 : vector<512x128xf32>
    %select_n3A_821 = arith.select %lt3A_820, %select_n3A_806, %select_n3A_803 : vector<512x128xi1>, vector<512x128xf32>
    %select_n3A_822 = arith.select %lt3A_820, %select_n3A_807, %select_n3A_804 : vector<512x128xi1>, vector<512x128xi32>
    %lt3A_823 = arith.cmpf olt, %select_n3A_812, %select_n3A_809 : vector<512x128xf32>
    %select_n3A_824 = arith.select %lt3A_823, %select_n3A_812, %select_n3A_809 : vector<512x128xi1>, vector<512x128xf32>
    %select_n3A_825 = arith.select %lt3A_823, %select_n3A_813, %select_n3A_810 : vector<512x128xi1>, vector<512x128xi32>
    %lt3A_826 = arith.cmpf olt, %select_n3A_818, %select_n3A_815 : vector<512x128xf32>
    %select_n3A_827 = arith.select %lt3A_826, %select_n3A_818, %select_n3A_815 : vector<512x128xi1>, vector<512x128xf32>
    %select_n3A_828 = arith.select %lt3A_826, %select_n3A_819, %select_n3A_816 : vector<512x128xi1>, vector<512x128xi32>
    %lt3A_829 = arith.cmpf olt, %select_n3A_824, %select_n3A_821 : vector<512x128xf32>
    %select_n3A_830 = arith.select %lt3A_829, %select_n3A_824, %select_n3A_821 : vector<512x128xi1>, vector<512x128xf32>
    %select_n3A_831 = arith.select %lt3A_829, %select_n3A_825, %select_n3A_822 : vector<512x128xi1>, vector<512x128xi32>
    %lt3A_832 = arith.cmpf olt, %select_n3A_830, %select_n3A_827 : vector<512x128xf32>
    %select_n3A_833 = arith.select %lt3A_832, %select_n3A_830, %select_n3A_827 : vector<512x128xi1>, vector<512x128xf32>
    %select_n3A_834 = arith.select %lt3A_832, %select_n3A_831, %select_n3A_828 : vector<512x128xi1>, vector<512x128xi32>
    %reduce_min3A = arith.constant dense<0x7F800000> : vector<512xf32>
    %reduce_min3A_835 = vector.multi_reduction <minimumf>, %select_n3A_833, %reduce_min3A [1] : vector<512x128xf32> to vector<512xf32>
    %broadcast_in_dim3A_836 = vector.shape_cast %reduce_min3A_835 : vector<512xf32> to vector<512x1xf32>
    %eq3A_837 = vector.broadcast %broadcast_in_dim3A_836 : vector<512x1xf32> to vector<512x128xf32>
    %eq3A_838 = arith.cmpf oeq, %select_n3A_833, %eq3A_837 : vector<512x128xf32>
    %jit3A = arith.constant 2147483647 : i32
    %broadcast_in_dim3A_839 = vector.broadcast %jit3A : i32 to vector<512x128xi32>
    %select_n3A_840 = arith.select %eq3A_838, %select_n3A_834, %broadcast_in_dim3A_839 : vector<512x128xi1>, vector<512x128xi32>
    %reduce_min3A_841 = arith.constant dense<2147483647> : vector<512xi32>
    %reduce_min3A_842 = vector.multi_reduction <minsi>, %select_n3A_840, %reduce_min3A_841 [1] : vector<512x128xi32> to vector<512xi32>
    %swap3A = arith.constant 0 : index
    %swap3A_843 = arith.constant 0 : index
    %swap3A_844 = arith.constant 0 : index
    %swap3A_845 = vector.load %arg3[%swap3A, %swap3A_843, %swap3A_844] : memref<1x1x512xi32, #tpu.memory_space<vmem>>, vector<1x1x512xi32>
    %swap3A_846 = vector.shape_cast %swap3A_845 : vector<1x1x512xi32> to vector<512xi32>
    %swap3A_847 = vector.shape_cast %reduce_min3A_842 : vector<512xi32> to vector<1x1x512xi32>
    tpu.vector_store %arg3[%swap3A, %swap3A_843, %swap3A_844], %swap3A_847 {strides = array<i32>} : memref<1x1x512xi32, #tpu.memory_space<vmem>>, vector<1x1x512xi32>,
    %reduce_sum3A_848 = vector.shape_cast %reduce_min3A_835 : vector<512xf32> to vector<1x512xf32>
    %reduce_sum3A_849 = arith.constant dense<0.000000e+00> : vector<1xf32>
    %reduce_sum3A_850 = vector.multi_reduction <add>, %reduce_sum3A_848, %reduce_sum3A_849 [1] : vector<1x512xf32> to vector<1xf32>
    %reduce_sum3A_851 = vector.shape_cast %reduce_sum3A_850 : vector<1xf32> to vector<1x1xf32>
    %reduce_sum3A_852 = vector.extract %reduce_sum3A_851[0, 0] : f32 from vector<1x1xf32>
    %reshape3A = vector.broadcast %reduce_sum3A_852 : f32 to vector<1x1xf32>
    %eq3A_853 = arith.constant 0 : i32
    %eq3A_854 = arith.cmpi eq, %arg0, %eq3A_853 : i32
    %broadcast_in_dim3A_855 = arith.constant 0.000000e+00 : f32
    %broadcast_in_dim3A_856 = vector.broadcast %broadcast_in_dim3A_855 : f32 to vector<1x1xf32>
    %get3A_857 = arith.constant 0 : index
    %get3A_858 = arith.constant 0 : index
    %get3A_859 = vector.load %arg4[%get3A_857, %get3A_858] : memref<1x1xf32, #tpu.memory_space<vmem>>, vector<1x1xf32>
    %select_n3A_860 = arith.select %eq3A_854, %broadcast_in_dim3A_856, %get3A_859 : vector<1x1xf32>
    %add3A_861 = arith.addf %select_n3A_860, %reshape3A : vector<1x1xf32>
    %eq3A_862 = arith.constant 31 : i32
    %eq3A_863 = arith.cmpi eq, %arg0, %eq3A_862 : i32
    %mul3A_864 = arith.constant 4.76837158E-7 : f32
    %mul3A_865 = vector.broadcast %mul3A_864 : f32 to vector<1x1xf32>
    %mul3A_866 = arith.mulf %add3A_861, %mul3A_865 : vector<1x1xf32>
    %select_n3A_867 = arith.select %eq3A_863, %mul3A_866, %add3A_861 : vector<1x1xf32>
    %swap3A_868 = arith.constant 0 : index
    %swap3A_869 = arith.constant 0 : index
    %swap3A_870 = vector.load %arg4[%swap3A_868, %swap3A_869] : memref<1x1xf32, #tpu.memory_space<vmem>>, vector<1x1xf32>
    tpu.vector_store %arg4[%swap3A_868, %swap3A_869], %select_n3A_867 {strides = array<i32>} : memref<1x1xf32, #tpu.memory_space<vmem>>, vector<1x1xf32>,
    return
  }
  func.func @transform_0(%arg0: i32) -> (i32, i32) {
    %c0_i32 = arith.constant 0 : i32
    %c0_i32_0 = arith.constant 0 : i32
    return %arg0, %c0_i32 : i32, i32
  }
  func.func @transform_1(%arg0: i32) -> (i32, i32) {
    %c0_i32 = arith.constant 0 : i32
    %c0_i32_0 = arith.constant 0 : i32
    %c0_i32_1 = arith.constant 0 : i32
    return %c0_i32, %c0_i32_0 : i32, i32
  }
  func.func @transform_2(%arg0: i32) -> (i32, i32, i32) {
    %c0_i32 = arith.constant 0 : i32
    %c0_i32_0 = arith.constant 0 : i32
    %c0_i32_1 = arith.constant 0 : i32
    return %arg0, %c0_i32, %c0_i32_0 : i32, i32, i32
  }
  func.func @transform_3(%arg0: i32) -> (i32, i32) {
    %c0_i32 = arith.constant 0 : i32
    %c0_i32_0 = arith.constant 0 : i32
    %c0_i32_1 = arith.constant 0 : i32
    return %c0_i32, %c0_i32_0 : i32, i32
  }
}

</mosaic_0001>

<sc_bundles>
// kernel: kernel.4.cloned.1.call-start
scs
__scs_entry_jumppad:
0x0: {  	(pc) =	sbr.rel $0x88, $3  }
0x1: {  	(tag) =	ssettag $0x0;
	lr =	simm.s32 $0x1  }
0x2: {  	[smem:$0x3F9F] =	sst lr;
	_ =	strace $0xD0000000  }
0x3: {  	_ = 	snop  }
0x4: {  	_ = 	snop  }
0x5: {  	_ = 	snop  }
0x6: {  	_ = 	snop  }
0x7: {  	_ = 	snop  }
__scs_overlays_trampoline_lowered:
0x8: {  	[smem:$0x3FAE] =	sst s0  }
0x9: {  	[smem:$0x3FAF] =	sst s1  }
0xa: {  	[smem:$0x3FB0] =	sst s2  }
0xb: {  	[smem:$0x3FB1] =	sst s3  }
0xc: {  	[smem:$0x3FB2] =	sst s4  }
0xd: {  	[smem:$0x3FB3] =	sst s5  }
0xe: {  	[smem:$0x3FB4] =	sst s6  }
0xf: {  	[smem:$0x3FB5] =	sst s7  }
0x10: {  	[smem:$0x3FB6] =	sst s8  }
0x11: {  	[smem:$0x3FB7] =	sst s9;
	s0 =	simm.s32 @!p0 $0x0  }
0x12: {  	s1 =	sld [smem:$0x3F9D];
	s0 =	simm.s32 @p0 $0x1  }
0x13: {  	[smem:$0x3FB8] =	sst s0;
	s0 =	simm.s32 @!p1 $0x0  }
0x14: {  	s2 =	sld [smem:$0x3F9C];
	s0 =	simm.s32 @p1 $0x1  }
0x15: {  	[smem:$0x3FB9] =	sst s0;
	s0 =	simm.s32 @!p2 $0x0  }
0x16: {  	s3 =	sld [smem:$0x3FDB];
	s0 =	simm.s32 @p2 $0x1  }
0x17: {  	s4 =	simm.s32 $0x1BF5;
	[smem:$0x3FBB] =	sst s0  }
0x18: {  	s0 =	sld [smem:$0x3F9E];
	_ =	swait.ge [sflag:s4], $0x0  }
0x19: {  	s7 =	sld [smem:$0x3F9F]  }
0x1a: {  	s8 =	sadd.s32 $0xFFFFE003, lr  }
0x1b: {  	s9 =	sadd.s32 $0xFFFFFEF7, lr;
	s5 =	simm.s32 $0xFFFFFFFF;
	p2 =	slt.u32 s8, $0xFFFFF086  }
0x1c: {  	p1 =	slt.u32 s9, $0xF7A;
	s5 =	simm.s32 @!p2 $0x0  }
0x1d: {  	s5 =	simm.s32 @p1 $0x1;
	p0 =	seq.s32 s7, s2  }
0x1e: {  	s7 =	smul.u32 @!p0 $0xF7A, s2;
	p2 =	seq.s32 @!p0 s5, $0x0  }
0x1f: {  	s9 =	smul.u32 $0xF7A, s1;
	s8 =	simm.s32 @!p0 $0x1BF5;
	p2 =	por !p2, p0  }
0x20: {  	[sflag:s8] =	ssyncset.s32 @!p0 $0xFFFFF086;
	s6 =	sadd.s32 @!p0 s3, s7;
	s7 =	simm.s32 @!p0 $0x108  }
0x21: {  	s3 =	sadd.s32 s3, s9;
	s6 =	sadd.s32 @!p0 $0x88, s6;
	s7 =	simm.s32 @p2 $0x1082  }
0x22: {  	[simem:s7], [sflag:s8] =	dma.local @!p0 [hbm:s6], $0xF7A  }
0x23: {  	s9 =	sor.u32 $0xD0000000, s2;
	s6 =	simm.s32 $0x108;
	_ =	swait.ge @!p0 [sflag:s8], $0x0  }
0x24: {  	s3 =	sadd.s32 $0x88, s3;
	s6 =	simm.s32 @!p1 $0x1082;
	[sflag:s4] =	ssyncset.s32 $0xFFFFF086  }
0x25: {  	[simem:s6], [sflag:s4] =	dma.local [hbm:s3], $0xF7A  }
0x26: {  	[smem:$0x3F9F] =	sst s1;
	(tag) =	ssettag s2;
	_ =	strace s9  }
0x27: {  	s1 =	sld [smem:$0x3FAF]  }
0x28: {  	s2 =	sld [smem:$0x3FB0]  }
0x29: {  	s4 =	sld [smem:$0x3FB2]  }
0x2a: {  	p0 =	seq.s32 s5, $0x0;
	s5 =	sld [smem:$0x3FB3]  }
0x2b: {  	s6 =	sld [smem:$0x3FB4]  }
0x2c: {  	s7 =	sld [smem:$0x3FB5]  }
0x2d: {  	s3 =	simm.s32 $0x108;
	s8 =	sld [smem:$0x3FB6]  }
0x2e: {  	s3 =	simm.s32 @!p0 $0x1082;
	s9 =	sld [smem:$0x3FB7]  }
0x2f: {  	lr =	sadd.s32 s0, s3;
	s0 =	sld [smem:$0x3FAE]  }
0x30: {  	s3 =	sld [smem:$0x3FB1]  }
0x31: {  	[smem:$0x3FBA] =	sst s10  }
0x32: {  	s10 =	sld [smem:$0x3FB8];
	_ =	sdelay $0x3  }
0x33: {  	p0 =	seq.s32 s10, $0x1;
	s10 =	sld [smem:$0x3FBA];
	_ =	sdelay $0x3  }
0x34: {  	[smem:$0x3FBA] =	sst s10  }
0x35: {  	s10 =	sld [smem:$0x3FB9];
	_ =	sdelay $0x3  }
0x36: {  	p1 =	seq.s32 s10, $0x1;
	s10 =	sld [smem:$0x3FBA];
	_ =	sdelay $0x3  }
0x37: {  	[smem:$0x3FBA] =	sst s10  }
0x38: {  	s10 =	sld [smem:$0x3FBB]  }
0x39: {  	_ = 	snop;
	(pc) =	sbr.ind lr, $3  }
0x3a: {  	_ = 	snop  }
0x3b: {  	_ = 	snop  }
0x3c: {  	p2 =	seq.s32 s10, $0x1;
	s10 =	sld [smem:$0x3FBA]  }
0x3d: {  	_ =	shalt  }
0x3e: {  	_ =	shalt  }
0x3f: {  	_ =	shalt  }
0x40: {  	_ =	shalt  }
0x41: {  	_ =	shalt  }
0x42: {  	_ =	shalt  }
0x43: {  	_ =	shalt  }
0x44: {  	_ =	shalt  }
0x45: {  	_ =	shalt  }
0x46: {  	_ =	shalt  }
0x47: {  	_ =	shalt  }
0x48: {  	_ =	shalt  }
0x49: {  	_ =	shalt  }
0x4a: {  	_ =	shalt  }
0x4b: {  	_ =	shalt  }
0x4c: {  	_ =	shalt  }
0x4d: {  	_ =	shalt  }
0x4e: {  	_ =	shalt  }
0x4f: {  	_ =	shalt  }
0x50: {  	_ =	shalt  }
0x51: {  	_ =	shalt  }
0x52: {  	_ =	shalt  }
0x53: {  	_ =	shalt  }
0x54: {  	_ =	shalt  }
0x55: {  	_ =	shalt  }
0x56: {  	_ =	shalt  }
0x57: {  	_ =	shalt  }
0x58: {  	_ =	shalt  }
0x59: {  	_ =	shalt  }
0x5a: {  	_ =	shalt  }
0x5b: {  	_ =	shalt  }
0x5c: {  	_ =	shalt  }
0x5d: {  	_ =	shalt  }
0x5e: {  	_ =	shalt  }
0x5f: {  	_ =	shalt  }
0x60: {  	_ =	shalt  }
0x61: {  	_ =	shalt  }
0x62: {  	_ =	shalt  }
0x63: {  	_ =	shalt  }
0x64: {  	_ =	shalt  }
0x65: {  	_ =	shalt  }
0x66: {  	_ =	shalt  }
0x67: {  	_ =	shalt  }
0x68: {  	_ =	shalt  }
0x69: {  	_ =	shalt  }
0x6a: {  	_ =	shalt  }
0x6b: {  	_ =	shalt  }
0x6c: {  	_ =	shalt  }
0x6d: {  	_ =	shalt  }
0x6e: {  	_ =	shalt  }
0x6f: {  	_ =	shalt  }
0x70: {  	_ =	shalt  }
0x71: {  	_ =	shalt  }
0x72: {  	_ =	shalt  }
0x73: {  	_ =	shalt  }
0x74: {  	_ =	shalt  }
0x75: {  	_ =	shalt  }
0x76: {  	_ =	shalt  }
0x77: {  	_ =	shalt  }
0x78: {  	_ =	shalt  }
0x79: {  	_ =	shalt  }
0x7a: {  	_ =	shalt  }
0x7b: {  	_ =	shalt  }
0x7c: {  	_ =	shalt  }
0x7d: {  	_ =	shalt  }
0x7e: {  	_ =	shalt  }
0x7f: {  	_ =	shalt  }
0x80: {  	_ =	shalt  }
0x81: {  	_ =	shalt  }
0x82: {  	_ =	shalt  }
0x83: {  	_ =	shalt  }
0x84: {  	_ =	shalt  }
0x85: {  	_ =	shalt  }
0x86: {  	_ =	shalt  }
0x87: {  	_ =	shalt  }
.Lfunc_end0:
.L_simem_size_0:
called_computation_lowered:
.L_overlay_start_0:
0x88: {  	s2 =	sld [smem:$0x3FD9]  }
0x89: {  	s3 =	sld [smem:$0x3FFE];
	_ =	sdelay $0x1  }
0x8a: {  	s1 =	srdreg.scid  }
0x8b: {  	s0 =	sand.u32 $0x1, s1  }
0x8c: {  	s15 =	sshll.u32 s0, $0xA;
	s2 =	sadd.s32 s3, s2  }
0x8d: {  	s2 =	sadd.s32 s2, s15  }
0x8e: {  	[smem:$0x3FC6] =	sst s2  }
0x8f: {  	_ = 	snop  }
0x90: {  	s2 =	sld [smem:$0x3FD0];
	_ =	sdelay $0x2  }
0x91: {  	s4 =	simm.s32 $0xA;
	s5 =	simm.s32 $0x10;
	s16 =	sld [smem:$0x3FC8]  }
0x92: {  	[smem:s5], [sflag:s4] =	dma.local [hbm:s2], $0x1  }
0x93: {  	_ =	swait.eq [sflag:s4], $0x1  }
0x94: {  	[sflag:s4] =	ssyncset.done $0x0  }
0x95: {  	s17 =	sld [smem:$0x11];
	[sflag:s4] =	ssyncadd.s32 $0xFFFFFFFF  }
0x96: {  	s18 =	sld [smem:$0x12];
	(tm) =	ssettm $0x1  }
0x97: {  	s19 =	sld [smem:$0x3FFB];
	_ =	sdelay $0x3  }
0x98: {  	_ =	strace s19  }
0x99: {  	s5 =	sld [smem:$0x3FFC];
	_ =	sdelay $0x3  }
0x9a: {  	_ =	strace s5  }
0x9b: {  	s5 =	sld [smem:$0x3FFD];
	_ =	sdelay $0x3  }
0x9c: {  	_ =	strace s5  }
0x9d: {  	_ =	strace $0x8FFFFFFF  }
0x9e: {  	s20 =	sld [smem:$0x3FDB];
	_ =	sdelay $0x1  }
0x9f: {  	s6 =	simm.s32 $_scs_section_size  }
0xa0: {  	s7 =	simm.s32 $_size__tile_overlayer_lowered;
	s8 =	simm.s32 $_tile_overlayer_lowered  }
0xa1: {  	s23 =	simm.s32 $0x1BFF;
	s22 =	sshll.u32 s8, $0x1;
	s5 =	sadd.s32 s6, s20  }
0xa2: {  	s9 =	simm.s32 $0x0;
	s21 =	sshll.u32 s7, $0x1;
	s7 =	sadd.s32 s22, s5  }
0xa3: {  	[timem:s9], [sflag:s23] =	dma.local [hbm:s7], s21  }
0xa4: {  	_ =	swait.ge [sflag:s23], s21  }
0xa5: {  	s6 =	ssub.s32 $0x0, s21;
	[sflag:s23] =	ssyncset.done $0x0  }
0xa6: {  	[sflag:s23] =	ssyncadd.s32 s6;
	_ =	sdelay $0x1  }
0xa7: {  	s24 =	simm.s32 $0x1B8B  }
0xa8: {  	_ =	swait.ge [sflag:s24], $0x1  }
0xa9: {  	[sflag:s24] =	ssyncset.done $0x0  }
0xaa: {  	s25 =	simm.s32 $0x1B8E;
	[sflag:s24] =	ssyncadd.s32 $0xFFFFFFFF  }
0xab: {  	s26 =	simm.s32 $execute0_lowered;
	[smem:$0x3FD2] =	sst s25  }
0xac: {  	s6 =	sshll.u32 s26, $0x1;
	_ =	strace $0x80000046;
	[dreg:$0x1] =	wrdreg $0xFFFFFFFF  }
0xad: {  	s28 =	simm.s32 $_size_execute0_lowered;
	s5 =	sadd.s32 s5, s6;
	[dreg:$0x0] =	wrdreg $0x0  }
0xae: {  	s6 =	sshll.u32 s28, $0x1;
	[dreg:$0x2] =	wrdreg s5  }
0xaf: {  	[dreg:$0x3] =	wrdreg s6  }
0xb0: {  	[dreg:$0x4] =	wrdreg $0xC0  }
0xb1: {  	_ =	task [dreg:s9], $0x5FFFF  }
0xb2: {  	[dreg:$0x1] =	wrdreg $0xFFFFFFFF  }
0xb3: {  	[dreg:$0x0] =	wrdreg $0x60  }
0xb4: {  	[dreg:$0x2] =	wrdreg s16  }
0xb5: {  	[dreg:$0x3] =	wrdreg s18  }
0xb6: {  	[dreg:$0x4] =	wrdreg s17  }
0xb7: {  	[dreg:$0x5] =	wrdreg $0x9  }
0xb8: {  	_ =	task.clear_ibuf [dreg:s9], $0x6FFFF;
	_ =	strace $0x90000046  }
0xb9: {  	s29 =	simm.s32 $0x9;
	_ =	strace $0x80000048  }
0xba: {  	_ =	swait.ge [sflag:s29], $0x1  }
0xbb: {  	[sflag:s29] =	ssyncadd.s32 $0xFFFFFFFF  }
0xbc: {  	_ =	strace $0x90000048  }
0xbd: {  	_ =	sfence  }
0xbe: {  	s30 =	sld [smem:$0x0];
	_ =	sdelay $0x2  }
0xbf: {  	s31 =	sshll.u32 s1, $0xD;
	s1 =	sshrl.u32 s1, $0x2  }
0xc0: {  	s3 =	sand.u32 $0x4000, s31;
	s1 =	sadd.s32 s1, s30  }
0xc1: {  	s0 =	sor.u32 s3, s0;
	s1 =	sshll.u32 s1, $0x11  }
0xc2: {  	s0 =	sor.u32 s1, s0  }
0xc3: {  	s0 =	sadd.s32 $0x8F2B, s0  }
0xc4: {  	[sflag:s0] =	ssyncadd.remote.s32 $0x1  }
0xc5: {  	_ =	sfence.sel $0xFFFF  }
0xc6: {  	[dreg:$0x0] =	wrdreg $0xFFFFFFFF;
	(pc) =	sbr.abs _section_cstart, $3  }
0xc7: {  	[dreg:$0x1] =	wrdreg $0xFFFFFFFF  }
0xc8: {  	_ =	task.clear_ibuf [dreg:s9], $0x2FFFF;
	_ =	strace $0x9FFFFFFF  }
0xc9: {  	(tm) =	ssettm $0x7FFFFFFF  }
tec
execute0_lowered:
.L_overlay_start_1:
0x0: {  	(tag) =	ssettag $0x1  }
0x1: {  	s1 =	rddreg [dreg:$0x0]  }
0x2: {  	s10 =	rddreg [dreg:$0x1]  }
0x3: {  	s11 =	rddreg [dreg:$0x2]  }
0x4: {  	s0 =	rddreg [dreg:$0x3];
	s3 =	simm.s32 $0x0;
	s4 =	srdreg.scid  }
0x5: {  	s2 =	stileid.u32;
	s15 =	simm.s32 $0x880;
	s16 =	simm.s32 $0x1080  }
0x6: {  	s17 =	simm.s32 $0x1880;
	s18 =	simm.s32 $0x2080;
	s19 =	simm.s32 $0x2880  }
0x7: {  	s20 =	simm.s32 $0x3080;
	s21 =	simm.s32 $0x3880;
	s22 =	simm.s32 $0x4080  }
0x8: {  	s28 =	simm.s32 $0x6880;
	s29 =	simm.s32 $0x7080;
	s30 =	simm.s32 $0x7880  }
0x9: {  	s31 =	simm.s32 $0x1;
	[smem:$0x7FF] =	sst s3;
	s4 =	sand.u32 $0x1, s4  }
0xa: {  	s6 =	sshll.u32 s2, $0xA;
	s5 =	ssub.s32 $0x2, s4;
	s4 =	sshll.u32 s4, $0x9  }
0xb: {  	_ =	strace $0x80000047;
	s7 =	sshrl.u32 s5, $0x1;
	s9 =	sor.u32 s4, s6  }
0xc: {  	s12 =	ssub.s32 s5, s7;
	s4 =	sshrl.u32 s9, $0x3;
	s23 =	sshll.u32 s9, $0x5  }
0xd: {  	s6 =	sor.u32 $0x80, s9;
	s13 =	sor.u32 $0x100, s9;
	s14 =	sor.u32 $0x180, s9  }
0xe: {  	s4 =	sadd.s32 s10, s4;
	s5 =	sadd.s32 s11, s23;
	s24 =	sshrl.u32 s6, $0x3  }
0xf: {  	s8 =	sshll.u32 s6, $0x5;
	s25 =	sshrl.u32 s13, $0x3;
	s13 =	sshll.u32 s13, $0x5  }
0x10: {  	s26 =	sshrl.u32 s14, $0x3;
	s14 =	sshll.u32 s14, $0x5;
	s12 =	smax.u32 s12, $0x1  }
0x11: {  	s23 =	simm.s32 $0x4880;
	s6 =	sadd.s32 s10, s24;
	s7 =	sadd.s32 s11, s8  }
0x12: {  	v2 =	vlaneseq.u32;
	s8 =	sadd.s32 s10, s25;
	s9 =	sadd.s32 s11, s13;
	s10 =	sadd.s32 s10, s26  }
0x13: {  	vm0 =	vmmov $0xffff;
	v1 =	vshrl.u32 v2, $0x3;
	s11 =	sadd.s32 s11, s14;
	s13 =	simm.s32 $0x2;
	s14 =	simm.s32 $0x80  }
0x14: {  	v0 =	vand.u32 $0x7, v2;
	v2 =	vor.u32 $0x8, v2;
	v1 =	vmul.u32 $0x8, v1;
	s24 =	simm.s32 $0x5080;
	s25 =	simm.s32 $0x5880;
	s26 =	simm.s32 $0x6080  }
.LBB2_1:
0x15: {  	[tilespmem:s3], [sflag:$0x2] =	stream.linear.gather [hbm4b:s4+s3], $0x80, $0x38;
	[tilespmem:$0x8080] =	vst v63  }
0x16: {  	_ =	swait.ge [sflag:s13], $0x80  }
0x17: {  	[sflag:s13] =	ssyncset.done $0x0  }
0x18: {  	[sflag:s13] =	ssyncadd.s32 $0xFFFFFF80  }
0x19: {  	v3 =	vld [tilespmem:$0x0];
	_ =	sdelay $0x4  }
0x1a: {  	v4 =	vshll.u32 v3, $0x1  }
0x1b: {  	v3 =	vand.u32 $0x7, v3;
	v4 =	vand.u32 $0xFFFFFFF0, v4  }
0x1c: {  	v3 =	vor.u32 v3, v4  }
0x1d: {  	v4 =	vperm.xlane v3, v0;
	_ =	sdelay $0x1  }
0x1e: {  	v3 =	vperm.xlane v3, v2;
	v4 =	vadd.s32 v1, v4;
	_ =	sdelay $0x1  }
0x1f: {  	v3 =	vadd.s32 v1, v3;
	_ =	sdelay $0x2  }
0x20: {  	[tilespmem:s14], [sflag:$0x1] =	stream.indirect_vreg.gather [hbm4b:s1+s3], $0x80, v4, vm0, $0xb8;
	[tilespmem:$0x8080] =	vst v63  }
0x21: {  	_ = 	snop  }
0x22: {  	[tilespmem:s15], [sflag:$0x1] =	stream.indirect_vreg.gather [hbm4b:s1+s3], $0x80, v3, vm0, $0xb8;
	[tilespmem:$0x8080] =	vst v63  }
0x23: {  	v3 =	vld [tilespmem:$0x10];
	_ =	sdelay $0x4  }
0x24: {  	v33 =	vshll.u32 v3, $0x1  }
0x25: {  	v3 =	vand.u32 $0x7, v3;
	v4 =	vand.u32 $0xFFFFFFF0, v33  }
0x26: {  	v3 =	vor.u32 v3, v4  }
0x27: {  	v4 =	vperm.xlane v3, v0;
	_ =	sdelay $0x1  }
0x28: {  	v3 =	vperm.xlane v3, v2;
	v4 =	vadd.s32 v1, v4;
	_ =	sdelay $0x1  }
0x29: {  	v3 =	vadd.s32 v1, v3;
	_ =	sdelay $0x2  }
0x2a: {  	[tilespmem:s16], [sflag:$0x1] =	stream.indirect_vreg.gather [hbm4b:s1+s3], $0x80, v4, vm0, $0xb8;
	[tilespmem:$0x8080] =	vst v63  }
0x2b: {  	_ = 	snop  }
0x2c: {  	[tilespmem:s17], [sflag:$0x1] =	stream.indirect_vreg.gather [hbm4b:s1+s3], $0x80, v3, vm0, $0xb8;
	[tilespmem:$0x8080] =	vst v63  }
0x2d: {  	v3 =	vld [tilespmem:$0x20];
	_ =	sdelay $0x4  }
0x2e: {  	v34 =	vshll.u32 v3, $0x1  }
0x2f: {  	v3 =	vand.u32 $0x7, v3;
	v4 =	vand.u32 $0xFFFFFFF0, v34  }
0x30: {  	v3 =	vor.u32 v3, v4  }
0x31: {  	v4 =	vperm.xlane v3, v0;
	_ =	sdelay $0x1  }
0x32: {  	v3 =	vperm.xlane v3, v2;
	v4 =	vadd.s32 v1, v4;
	_ =	sdelay $0x1  }
0x33: {  	v3 =	vadd.s32 v1, v3;
	_ =	sdelay $0x2  }
0x34: {  	[tilespmem:s18], [sflag:$0x1] =	stream.indirect_vreg.gather [hbm4b:s1+s3], $0x80, v4, vm0, $0xb8;
	[tilespmem:$0x8080] =	vst v63  }
0x35: {  	_ = 	snop  }
0x36: {  	[tilespmem:s19], [sflag:$0x1] =	stream.indirect_vreg.gather [hbm4b:s1+s3], $0x80, v3, vm0, $0xb8;
	[tilespmem:$0x8080] =	vst v63  }
0x37: {  	v3 =	vld [tilespmem:$0x30];
	_ =	sdelay $0x4  }
0x38: {  	v35 =	vshll.u32 v3, $0x1  }
0x39: {  	v3 =	vand.u32 $0x7, v3;
	v4 =	vand.u32 $0xFFFFFFF0, v35  }
0x3a: {  	v3 =	vor.u32 v3, v4  }
0x3b: {  	v4 =	vperm.xlane v3, v0;
	_ =	sdelay $0x1  }
0x3c: {  	v3 =	vperm.xlane v3, v2;
	v4 =	vadd.s32 v1, v4;
	_ =	sdelay $0x1  }
0x3d: {  	v3 =	vadd.s32 v1, v3;
	_ =	sdelay $0x2  }
0x3e: {  	[tilespmem:s20], [sflag:$0x1] =	stream.indirect_vreg.gather [hbm4b:s1+s3], $0x80, v4, vm0, $0xb8;
	[tilespmem:$0x8080] =	vst v63  }
0x3f: {  	_ = 	snop  }
0x40: {  	[tilespmem:s21], [sflag:$0x1] =	stream.indirect_vreg.gather [hbm4b:s1+s3], $0x80, v3, vm0, $0xb8;
	[tilespmem:$0x8080] =	vst v63  }
0x41: {  	v3 =	vld [tilespmem:$0x40];
	_ =	sdelay $0x4  }
0x42: {  	v36 =	vshll.u32 v3, $0x1  }
0x43: {  	v3 =	vand.u32 $0x7, v3;
	v4 =	vand.u32 $0xFFFFFFF0, v36  }
0x44: {  	v3 =	vor.u32 v3, v4  }
0x45: {  	v4 =	vperm.xlane v3, v0;
	_ =	sdelay $0x1  }
0x46: {  	v3 =	vperm.xlane v3, v2;
	v4 =	vadd.s32 v1, v4;
	_ =	sdelay $0x1  }
0x47: {  	v3 =	vadd.s32 v1, v3;
	_ =	sdelay $0x2  }
0x48: {  	[tilespmem:s22], [sflag:$0x1] =	stream.indirect_vreg.gather [hbm4b:s1+s3], $0x80, v4, vm0, $0xb8;
	[tilespmem:$0x8080] =	vst v63  }
0x49: {  	_ = 	snop  }
0x4a: {  	[tilespmem:s23], [sflag:$0x1] =	stream.indirect_vreg.gather [hbm4b:s1+s3], $0x80, v3, vm0, $0xb8;
	[tilespmem:$0x8080] =	vst v63  }
0x4b: {  	v3 =	vld [tilespmem:$0x50];
	_ =	sdelay $0x4  }
0x4c: {  	v37 =	vshll.u32 v3, $0x1  }
0x4d: {  	v3 =	vand.u32 $0x7, v3;
	v4 =	vand.u32 $0xFFFFFFF0, v37  }
0x4e: {  	v3 =	vor.u32 v3, v4  }
0x4f: {  	v4 =	vperm.xlane v3, v0;
	_ =	sdelay $0x1  }
0x50: {  	v3 =	vperm.xlane v3, v2;
	v4 =	vadd.s32 v1, v4;
	_ =	sdelay $0x1  }
0x51: {  	v3 =	vadd.s32 v1, v3;
	_ =	sdelay $0x2  }
0x52: {  	[tilespmem:s24], [sflag:$0x1] =	stream.indirect_vreg.gather [hbm4b:s1+s3], $0x80, v4, vm0, $0xb8;
	[tilespmem:$0x8080] =	vst v63  }
0x53: {  	_ = 	snop  }
0x54: {  	[tilespmem:s25], [sflag:$0x1] =	stream.indirect_vreg.gather [hbm4b:s1+s3], $0x80, v3, vm0, $0xb8;
	[tilespmem:$0x8080] =	vst v63  }
0x55: {  	v3 =	vld [tilespmem:$0x60];
	_ =	sdelay $0x4  }
0x56: {  	v38 =	vshll.u32 v3, $0x1  }
0x57: {  	v3 =	vand.u32 $0x7, v3;
	v4 =	vand.u32 $0xFFFFFFF0, v38  }
0x58: {  	v3 =	vor.u32 v3, v4  }
0x59: {  	v4 =	vperm.xlane v3, v0;
	_ =	sdelay $0x1  }
0x5a: {  	v3 =	vperm.xlane v3, v2;
	v4 =	vadd.s32 v1, v4;
	_ =	sdelay $0x1  }
0x5b: {  	v3 =	vadd.s32 v1, v3;
	_ =	sdelay $0x2  }
0x5c: {  	[tilespmem:s26], [sflag:$0x1] =	stream.indirect_vreg.gather [hbm4b:s1+s3], $0x80, v4, vm0, $0xb8;
	[tilespmem:$0x8080] =	vst v63  }
0x5d: {  	_ = 	snop  }
0x5e: {  	[tilespmem:s28], [sflag:$0x1] =	stream.indirect_vreg.gather [hbm4b:s1+s3], $0x80, v3, vm0, $0xb8;
	[tilespmem:$0x8080] =	vst v63  }
0x5f: {  	v3 =	vld [tilespmem:$0x70];
	_ =	sdelay $0x4  }
0x60: {  	v39 =	vshll.u32 v3, $0x1  }
0x61: {  	v3 =	vand.u32 $0x7, v3;
	v4 =	vand.u32 $0xFFFFFFF0, v39  }
0x62: {  	v3 =	vor.u32 v3, v4  }
0x63: {  	v4 =	vperm.xlane v3, v0;
	_ =	sdelay $0x1  }
0x64: {  	v3 =	vperm.xlane v3, v2;
	v4 =	vadd.s32 v1, v4;
	_ =	sdelay $0x1  }
0x65: {  	v3 =	vadd.s32 v1, v3;
	_ =	sdelay $0x2  }
0x66: {  	[tilespmem:s29], [sflag:$0x1] =	stream.indirect_vreg.gather [hbm4b:s1+s3], $0x80, v4, vm0, $0xb8;
	[tilespmem:$0x8080] =	vst v63  }
0x67: {  	_ = 	snop  }
0x68: {  	[tilespmem:s30], [sflag:$0x1] =	stream.indirect_vreg.gather [hbm4b:s1+s3], $0x80, v3, vm0, $0xb8;
	[tilespmem:$0x8080] =	vst v63  }
0x69: {  	_ =	swait.ge [sflag:s31], $0x8000  }
0x6a: {  	[sflag:s31] =	ssyncset.done $0x0  }
0x6b: {  	[sflag:s31] =	ssyncadd.s32 $0xFFFF8000  }
0x6c: {  	[hbm4b:s5+s3] =	stream.linear.scatter [tilespmem:s14], [sflag:$0x2], $0x8000, $0x38;
	[tilespmem:$0x8080] =	vst v63  }
0x6d: {  	_ =	swait.ge [sflag:s13], $0x8000  }
0x6e: {  	[sflag:s13] =	ssyncset.done $0x0  }
0x6f: {  	[sflag:s13] =	ssyncadd.s32 $0xFFFF8000  }
0x70: {  	[tilespmem:s3], [sflag:$0x2] =	stream.linear.gather [hbm4b:s6+s3], $0x80, $0x38;
	[tilespmem:$0x8080] =	vst v63  }
0x71: {  	_ =	swait.ge [sflag:s13], $0x80  }
0x72: {  	[sflag:s13] =	ssyncset.done $0x0  }
0x73: {  	[sflag:s13] =	ssyncadd.s32 $0xFFFFFF80  }
0x74: {  	v3 =	vld [tilespmem:$0x0];
	_ =	sdelay $0x4  }
0x75: {  	v40 =	vshll.u32 v3, $0x1  }
0x76: {  	v3 =	vand.u32 $0x7, v3;
	v4 =	vand.u32 $0xFFFFFFF0, v40  }
0x77: {  	v3 =	vor.u32 v3, v4  }
0x78: {  	v4 =	vperm.xlane v3, v0;
	_ =	sdelay $0x1  }
0x79: {  	v3 =	vperm.xlane v3, v2;
	v4 =	vadd.s32 v1, v4;
	_ =	sdelay $0x1  }
0x7a: {  	v3 =	vadd.s32 v1, v3;
	_ =	sdelay $0x2  }
0x7b: {  	[tilespmem:s14], [sflag:$0x1] =	stream.indirect_vreg.gather [hbm4b:s1+s3], $0x80, v4, vm0, $0xb8;
	[tilespmem:$0x8080] =	vst v63  }
0x7c: {  	_ = 	snop  }
0x7d: {  	[tilespmem:s15], [sflag:$0x1] =	stream.indirect_vreg.gather [hbm4b:s1+s3], $0x80, v3, vm0, $0xb8;
	[tilespmem:$0x8080] =	vst v63  }
0x7e: {  	v3 =	vld [tilespmem:$0x10];
	_ =	sdelay $0x4  }
0x7f: {  	v41 =	vshll.u32 v3, $0x1  }
0x80: {  	v3 =	vand.u32 $0x7, v3;
	v4 =	vand.u32 $0xFFFFFFF0, v41  }
0x81: {  	v3 =	vor.u32 v3, v4  }
0x82: {  	v4 =	vperm.xlane v3, v0;
	_ =	sdelay $0x1  }
0x83: {  	v3 =	vperm.xlane v3, v2;
	v4 =	vadd.s32 v1, v4;
	_ =	sdelay $0x1  }
0x84: {  	v3 =	vadd.s32 v1, v3;
	_ =	sdelay $0x2  }
0x85: {  	[tilespmem:s16], [sflag:$0x1] =	stream.indirect_vreg.gather [hbm4b:s1+s3], $0x80, v4, vm0, $0xb8;
	[tilespmem:$0x8080] =	vst v63  }
0x86: {  	_ = 	snop  }
0x87: {  	[tilespmem:s17], [sflag:$0x1] =	stream.indirect_vreg.gather [hbm4b:s1+s3], $0x80, v3, vm0, $0xb8;
	[tilespmem:$0x8080] =	vst v63  }
0x88: {  	v3 =	vld [tilespmem:$0x20];
	_ =	sdelay $0x4  }
0x89: {  	v42 =	vshll.u32 v3, $0x1  }
0x8a: {  	v3 =	vand.u32 $0x7, v3;
	v4 =	vand.u32 $0xFFFFFFF0, v42  }
0x8b: {  	v3 =	vor.u32 v3, v4  }
0x8c: {  	v4 =	vperm.xlane v3, v0;
	_ =	sdelay $0x1  }
0x8d: {  	v3 =	vperm.xlane v3, v2;
	v4 =	vadd.s32 v1, v4;
	_ =	sdelay $0x1  }
0x8e: {  	v3 =	vadd.s32 v1, v3;
	_ =	sdelay $0x2  }
0x8f: {  	[tilespmem:s18], [sflag:$0x1] =	stream.indirect_vreg.gather [hbm4b:s1+s3], $0x80, v4, vm0, $0xb8;
	[tilespmem:$0x8080] =	vst v63  }
0x90: {  	_ = 	snop  }
0x91: {  	[tilespmem:s19], [sflag:$0x1] =	stream.indirect_vreg.gather [hbm4b:s1+s3], $0x80, v3, vm0, $0xb8;
	[tilespmem:$0x8080] =	vst v63  }
0x92: {  	v3 =	vld [tilespmem:$0x30];
	_ =	sdelay $0x4  }
0x93: {  	v43 =	vshll.u32 v3, $0x1  }
0x94: {  	v3 =	vand.u32 $0x7, v3;
	v4 =	vand.u32 $0xFFFFFFF0, v43  }
0x95: {  	v3 =	vor.u32 v3, v4  }
0x96: {  	v4 =	vperm.xlane v3, v0;
	_ =	sdelay $0x1  }
0x97: {  	v3 =	vperm.xlane v3, v2;
	v4 =	vadd.s32 v1, v4;
	_ =	sdelay $0x1  }
0x98: {  	v3 =	vadd.s32 v1, v3;
	_ =	sdelay $0x2  }
0x99: {  	[tilespmem:s20], [sflag:$0x1] =	stream.indirect_vreg.gather [hbm4b:s1+s3], $0x80, v4, vm0, $0xb8;
	[tilespmem:$0x8080] =	vst v63  }
0x9a: {  	_ = 	snop  }
0x9b: {  	[tilespmem:s21], [sflag:$0x1] =	stream.indirect_vreg.gather [hbm4b:s1+s3], $0x80, v3, vm0, $0xb8;
	[tilespmem:$0x8080] =	vst v63  }
0x9c: {  	v3 =	vld [tilespmem:$0x40];
	_ =	sdelay $0x4  }
0x9d: {  	v44 =	vshll.u32 v3, $0x1  }
0x9e: {  	v3 =	vand.u32 $0x7, v3;
	v4 =	vand.u32 $0xFFFFFFF0, v44  }
0x9f: {  	v3 =	vor.u32 v3, v4  }
0xa0: {  	v4 =	vperm.xlane v3, v0;
	_ =	sdelay $0x1  }
0xa1: {  	v3 =	vperm.xlane v3, v2;
	v4 =	vadd.s32 v1, v4;
	_ =	sdelay $0x1  }
0xa2: {  	v3 =	vadd.s32 v1, v3;
	_ =	sdelay $0x2  }
0xa3: {  	[tilespmem:s22], [sflag:$0x1] =	stream.indirect_vreg.gather [hbm4b:s1+s3], $0x80, v4, vm0, $0xb8;
	[tilespmem:$0x8080] =	vst v63  }
0xa4: {  	_ = 	snop  }
0xa5: {  	[tilespmem:s23], [sflag:$0x1] =	stream.indirect_vreg.gather [hbm4b:s1+s3], $0x80, v3, vm0, $0xb8;
	[tilespmem:$0x8080] =	vst v63  }
0xa6: {  	v3 =	vld [tilespmem:$0x50];
	_ =	sdelay $0x4  }
0xa7: {  	v45 =	vshll.u32 v3, $0x1  }
0xa8: {  	v3 =	vand.u32 $0x7, v3;
	v4 =	vand.u32 $0xFFFFFFF0, v45  }
0xa9: {  	v3 =	vor.u32 v3, v4  }
0xaa: {  	v4 =	vperm.xlane v3, v0;
	_ =	sdelay $0x1  }
0xab: {  	v3 =	vperm.xlane v3, v2;
	v4 =	vadd.s32 v1, v4;
	_ =	sdelay $0x1  }
0xac: {  	v3 =	vadd.s32 v1, v3;
	_ =	sdelay $0x2  }
0xad: {  	[tilespmem:s24], [sflag:$0x1] =	stream.indirect_vreg.gather [hbm4b:s1+s3], $0x80, v4, vm0, $0xb8;
	[tilespmem:$0x8080] =	vst v63  }
0xae: {  	_ = 	snop  }
0xaf: {  	[tilespmem:s25], [sflag:$0x1] =	stream.indirect_vreg.gather [hbm4b:s1+s3], $0x80, v3, vm0, $0xb8;
	[tilespmem:$0x8080] =	vst v63  }
0xb0: {  	v3 =	vld [tilespmem:$0x60];
	_ =	sdelay $0x4  }
0xb1: {  	v46 =	vshll.u32 v3, $0x1  }
0xb2: {  	v3 =	vand.u32 $0x7, v3;
	v4 =	vand.u32 $0xFFFFFFF0, v46  }
0xb3: {  	v3 =	vor.u32 v3, v4  }
0xb4: {  	v4 =	vperm.xlane v3, v0;
	_ =	sdelay $0x1  }
0xb5: {  	v3 =	vperm.xlane v3, v2;
	v4 =	vadd.s32 v1, v4;
	_ =	sdelay $0x1  }
0xb6: {  	v3 =	vadd.s32 v1, v3;
	_ =	sdelay $0x2  }
0xb7: {  	[tilespmem:s26], [sflag:$0x1] =	stream.indirect_vreg.gather [hbm4b:s1+s3], $0x80, v4, vm0, $0xb8;
	[tilespmem:$0x8080] =	vst v63  }
0xb8: {  	_ = 	snop  }
0xb9: {  	[tilespmem:s28], [sflag:$0x1] =	stream.indirect_vreg.gather [hbm4b:s1+s3], $0x80, v3, vm0, $0xb8;
	[tilespmem:$0x8080] =	vst v63  }
0xba: {  	v3 =	vld [tilespmem:$0x70];
	_ =	sdelay $0x4  }
0xbb: {  	v47 =	vshll.u32 v3, $0x1  }
0xbc: {  	v3 =	vand.u32 $0x7, v3;
	v4 =	vand.u32 $0xFFFFFFF0, v47  }
0xbd: {  	v3 =	vor.u32 v3, v4  }
0xbe: {  	v4 =	vperm.xlane v3, v0;
	_ =	sdelay $0x1  }
0xbf: {  	v3 =	vperm.xlane v3, v2;
	v4 =	vadd.s32 v1, v4;
	_ =	sdelay $0x1  }
0xc0: {  	v3 =	vadd.s32 v1, v3;
	_ =	sdelay $0x2  }
0xc1: {  	[tilespmem:s29], [sflag:$0x1] =	stream.indirect_vreg.gather [hbm4b:s1+s3], $0x80, v4, vm0, $0xb8;
	[tilespmem:$0x8080] =	vst v63  }
0xc2: {  	_ = 	snop  }
0xc3: {  	[tilespmem:s30], [sflag:$0x1] =	stream.indirect_vreg.gather [hbm4b:s1+s3], $0x80, v3, vm0, $0xb8;
	[tilespmem:$0x8080] =	vst v63  }
0xc4: {  	_ =	swait.ge [sflag:s31], $0x8000  }
0xc5: {  	[sflag:s31] =	ssyncset.done $0x0  }
0xc6: {  	[sflag:s31] =	ssyncadd.s32 $0xFFFF8000  }
0xc7: {  	[hbm4b:s7+s3] =	stream.linear.scatter [tilespmem:s14], [sflag:$0x2], $0x8000, $0x38;
	[tilespmem:$0x8080] =	vst v63  }
0xc8: {  	_ =	swait.ge [sflag:s13], $0x8000  }
0xc9: {  	[sflag:s13] =	ssyncset.done $0x0  }
0xca: {  	[sflag:s13] =	ssyncadd.s32 $0xFFFF8000  }
0xcb: {  	[tilespmem:s3], [sflag:$0x2] =	stream.linear.gather [hbm4b:s8+s3], $0x80, $0x38;
	[tilespmem:$0x8080] =	vst v63  }
0xcc: {  	_ =	swait.ge [sflag:s13], $0x80  }
0xcd: {  	[sflag:s13] =	ssyncset.done $0x0  }
0xce: {  	[sflag:s13] =	ssyncadd.s32 $0xFFFFFF80  }
0xcf: {  	v3 =	vld [tilespmem:$0x0];
	_ =	sdelay $0x4  }
0xd0: {  	v48 =	vshll.u32 v3, $0x1  }
0xd1: {  	v3 =	vand.u32 $0x7, v3;
	v4 =	vand.u32 $0xFFFFFFF0, v48  }
0xd2: {  	v3 =	vor.u32 v3, v4  }
0xd3: {  	v4 =	vperm.xlane v3, v0;
	_ =	sdelay $0x1  }
0xd4: {  	v3 =	vperm.xlane v3, v2;
	v4 =	vadd.s32 v1, v4;
	_ =	sdelay $0x1  }
0xd5: {  	v3 =	vadd.s32 v1, v3;
	_ =	sdelay $0x2  }
0xd6: {  	[tilespmem:s14], [sflag:$0x1] =	stream.indirect_vreg.gather [hbm4b:s1+s3], $0x80, v4, vm0, $0xb8;
	[tilespmem:$0x8080] =	vst v63  }
0xd7: {  	_ = 	snop  }
0xd8: {  	[tilespmem:s15], [sflag:$0x1] =	stream.indirect_vreg.gather [hbm4b:s1+s3], $0x80, v3, vm0, $0xb8;
	[tilespmem:$0x8080] =	vst v63  }
0xd9: {  	v3 =	vld [tilespmem:$0x10];
	_ =	sdelay $0x4  }
0xda: {  	v49 =	vshll.u32 v3, $0x1  }
0xdb: {  	v3 =	vand.u32 $0x7, v3;
	v4 =	vand.u32 $0xFFFFFFF0, v49  }
0xdc: {  	v3 =	vor.u32 v3, v4  }
0xdd: {  	v4 =	vperm.xlane v3, v0;
	_ =	sdelay $0x1  }
0xde: {  	v3 =	vperm.xlane v3, v2;
	v4 =	vadd.s32 v1, v4;
	_ =	sdelay $0x1  }
0xdf: {  	v3 =	vadd.s32 v1, v3;
	_ =	sdelay $0x2  }
0xe0: {  	[tilespmem:s16], [sflag:$0x1] =	stream.indirect_vreg.gather [hbm4b:s1+s3], $0x80, v4, vm0, $0xb8;
	[tilespmem:$0x8080] =	vst v63  }
0xe1: {  	_ = 	snop  }
0xe2: {  	[tilespmem:s17], [sflag:$0x1] =	stream.indirect_vreg.gather [hbm4b:s1+s3], $0x80, v3, vm0, $0xb8;
	[tilespmem:$0x8080] =	vst v63  }
0xe3: {  	v3 =	vld [tilespmem:$0x20];
	_ =	sdelay $0x4  }
0xe4: {  	v50 =	vshll.u32 v3, $0x1  }
0xe5: {  	v3 =	vand.u32 $0x7, v3;
	v4 =	vand.u32 $0xFFFFFFF0, v50  }
0xe6: {  	v3 =	vor.u32 v3, v4  }
0xe7: {  	v4 =	vperm.xlane v3, v0;
	_ =	sdelay $0x1  }
0xe8: {  	v3 =	vperm.xlane v3, v2;
	v4 =	vadd.s32 v1, v4;
	_ =	sdelay $0x1  }
0xe9: {  	v3 =	vadd.s32 v1, v3;
	_ =	sdelay $0x2  }
0xea: {  	[tilespmem:s18], [sflag:$0x1] =	stream.indirect_vreg.gather [hbm4b:s1+s3], $0x80, v4, vm0, $0xb8;
	[tilespmem:$0x8080] =	vst v63  }
0xeb: {  	_ = 	snop  }
0xec: {  	[tilespmem:s19], [sflag:$0x1] =	stream.indirect_vreg.gather [hbm4b:s1+s3], $0x80, v3, vm0, $0xb8;
	[tilespmem:$0x8080] =	vst v63  }
0xed: {  	v3 =	vld [tilespmem:$0x30];
	_ =	sdelay $0x4  }
0xee: {  	v51 =	vshll.u32 v3, $0x1  }
0xef: {  	v3 =	vand.u32 $0x7, v3;
	v4 =	vand.u32 $0xFFFFFFF0, v51  }
0xf0: {  	v3 =	vor.u32 v3, v4  }
0xf1: {  	v4 =	vperm.xlane v3, v0;
	_ =	sdelay $0x1  }
0xf2: {  	v3 =	vperm.xlane v3, v2;
	v4 =	vadd.s32 v1, v4;
	_ =	sdelay $0x1  }
0xf3: {  	v3 =	vadd.s32 v1, v3;
	_ =	sdelay $0x2  }
0xf4: {  	[tilespmem:s20], [sflag:$0x1] =	stream.indirect_vreg.gather [hbm4b:s1+s3], $0x80, v4, vm0, $0xb8;
	[tilespmem:$0x8080] =	vst v63  }
0xf5: {  	_ = 	snop  }
0xf6: {  	[tilespmem:s21], [sflag:$0x1] =	stream.indirect_vreg.gather [hbm4b:s1+s3], $0x80, v3, vm0, $0xb8;
	[tilespmem:$0x8080] =	vst v63  }
0xf7: {  	v3 =	vld [tilespmem:$0x40];
	_ =	sdelay $0x4  }
0xf8: {  	v52 =	vshll.u32 v3, $0x1  }
0xf9: {  	v3 =	vand.u32 $0x7, v3;
	v4 =	vand.u32 $0xFFFFFFF0, v52  }
0xfa: {  	v3 =	vor.u32 v3, v4  }
0xfb: {  	v4 =	vperm.xlane v3, v0;
	_ =	sdelay $0x1  }
0xfc: {  	v3 =	vperm.xlane v3, v2;
	v4 =	vadd.s32 v1, v4;
	_ =	sdelay $0x1  }
0xfd: {  	v3 =	vadd.s32 v1, v3;
	_ =	sdelay $0x2  }
0xfe: {  	[tilespmem:s22], [sflag:$0x1] =	stream.indirect_vreg.gather [hbm4b:s1+s3], $0x80, v4, vm0, $0xb8;
	[tilespmem:$0x8080] =	vst v63  }
0xff: {  	_ = 	snop  }
0x100: {  	[tilespmem:s23], [sflag:$0x1] =	stream.indirect_vreg.gather [hbm4b:s1+s3], $0x80, v3, vm0, $0xb8;
	[tilespmem:$0x8080] =	vst v63  }
0x101: {  	v3 =	vld [tilespmem:$0x50];
	_ =	sdelay $0x4  }
0x102: {  	v53 =	vshll.u32 v3, $0x1  }
0x103: {  	v3 =	vand.u32 $0x7, v3;
	v4 =	vand.u32 $0xFFFFFFF0, v53  }
0x104: {  	v3 =	vor.u32 v3, v4  }
0x105: {  	v4 =	vperm.xlane v3, v0;
	_ =	sdelay $0x1  }
0x106: {  	v3 =	vperm.xlane v3, v2;
	v4 =	vadd.s32 v1, v4;
	_ =	sdelay $0x1  }
0x107: {  	v3 =	vadd.s32 v1, v3;
	_ =	sdelay $0x2  }
0x108: {  	[tilespmem:s24], [sflag:$0x1] =	stream.indirect_vreg.gather [hbm4b:s1+s3], $0x80, v4, vm0, $0xb8;
	[tilespmem:$0x8080] =	vst v63  }
0x109: {  	_ = 	snop  }
0x10a: {  	[tilespmem:s25], [sflag:$0x1] =	stream.indirect_vreg.gather [hbm4b:s1+s3], $0x80, v3, vm0, $0xb8;
	[tilespmem:$0x8080] =	vst v63  }
0x10b: {  	v3 =	vld [tilespmem:$0x60];
	_ =	sdelay $0x4  }
0x10c: {  	v54 =	vshll.u32 v3, $0x1  }
0x10d: {  	v3 =	vand.u32 $0x7, v3;
	v4 =	vand.u32 $0xFFFFFFF0, v54  }
0x10e: {  	v3 =	vor.u32 v3, v4  }
0x10f: {  	v4 =	vperm.xlane v3, v0;
	_ =	sdelay $0x1  }
0x110: {  	v3 =	vperm.xlane v3, v2;
	v4 =	vadd.s32 v1, v4;
	_ =	sdelay $0x1  }
0x111: {  	v3 =	vadd.s32 v1, v3;
	_ =	sdelay $0x2  }
0x112: {  	[tilespmem:s26], [sflag:$0x1] =	stream.indirect_vreg.gather [hbm4b:s1+s3], $0x80, v4, vm0, $0xb8;
	[tilespmem:$0x8080] =	vst v63  }
0x113: {  	_ = 	snop  }
0x114: {  	[tilespmem:s28], [sflag:$0x1] =	stream.indirect_vreg.gather [hbm4b:s1+s3], $0x80, v3, vm0, $0xb8;
	[tilespmem:$0x8080] =	vst v63  }
0x115: {  	v3 =	vld [tilespmem:$0x70];
	_ =	sdelay $0x4  }
0x116: {  	v55 =	vshll.u32 v3, $0x1  }
0x117: {  	v3 =	vand.u32 $0x7, v3;
	v4 =	vand.u32 $0xFFFFFFF0, v55  }
0x118: {  	v3 =	vor.u32 v3, v4  }
0x119: {  	v4 =	vperm.xlane v3, v0;
	_ =	sdelay $0x1  }
0x11a: {  	v3 =	vperm.xlane v3, v2;
	v4 =	vadd.s32 v1, v4;
	_ =	sdelay $0x1  }
0x11b: {  	v3 =	vadd.s32 v1, v3;
	_ =	sdelay $0x2  }
0x11c: {  	[tilespmem:s29], [sflag:$0x1] =	stream.indirect_vreg.gather [hbm4b:s1+s3], $0x80, v4, vm0, $0xb8;
	[tilespmem:$0x8080] =	vst v63  }
0x11d: {  	_ = 	snop  }
0x11e: {  	[tilespmem:s30], [sflag:$0x1] =	stream.indirect_vreg.gather [hbm4b:s1+s3], $0x80, v3, vm0, $0xb8;
	[tilespmem:$0x8080] =	vst v63  }
0x11f: {  	_ =	swait.ge [sflag:s31], $0x8000  }
0x120: {  	[sflag:s31] =	ssyncset.done $0x0  }
0x121: {  	[sflag:s31] =	ssyncadd.s32 $0xFFFF8000  }
0x122: {  	[hbm4b:s9+s3] =	stream.linear.scatter [tilespmem:s14], [sflag:$0x2], $0x8000, $0x38;
	[tilespmem:$0x8080] =	vst v63  }
0x123: {  	_ =	swait.ge [sflag:s13], $0x8000  }
0x124: {  	[sflag:s13] =	ssyncset.done $0x0  }
0x125: {  	[sflag:s13] =	ssyncadd.s32 $0xFFFF8000  }
0x126: {  	[tilespmem:s3], [sflag:$0x2] =	stream.linear.gather [hbm4b:s10+s3], $0x80, $0x38;
	[tilespmem:$0x8080] =	vst v63  }
0x127: {  	_ =	swait.ge [sflag:s13], $0x80  }
0x128: {  	[sflag:s13] =	ssyncset.done $0x0  }
0x129: {  	[sflag:s13] =	ssyncadd.s32 $0xFFFFFF80  }
0x12a: {  	v3 =	vld [tilespmem:$0x0];
	_ =	sdelay $0x4  }
0x12b: {  	v56 =	vshll.u32 v3, $0x1  }
0x12c: {  	v3 =	vand.u32 $0x7, v3;
	v4 =	vand.u32 $0xFFFFFFF0, v56  }
0x12d: {  	v3 =	vor.u32 v3, v4  }
0x12e: {  	v4 =	vperm.xlane v3, v0;
	_ =	sdelay $0x1  }
0x12f: {  	v3 =	vperm.xlane v3, v2;
	v4 =	vadd.s32 v1, v4;
	_ =	sdelay $0x1  }
0x130: {  	v3 =	vadd.s32 v1, v3;
	_ =	sdelay $0x2  }
0x131: {  	[tilespmem:s14], [sflag:$0x1] =	stream.indirect_vreg.gather [hbm4b:s1+s3], $0x80, v4, vm0, $0xb8;
	[tilespmem:$0x8080] =	vst v63  }
0x132: {  	_ = 	snop  }
0x133: {  	[tilespmem:s15], [sflag:$0x1] =	stream.indirect_vreg.gather [hbm4b:s1+s3], $0x80, v3, vm0, $0xb8;
	[tilespmem:$0x8080] =	vst v63  }
0x134: {  	v3 =	vld [tilespmem:$0x10];
	_ =	sdelay $0x4  }
0x135: {  	v57 =	vshll.u32 v3, $0x1  }
0x136: {  	v3 =	vand.u32 $0x7, v3;
	v4 =	vand.u32 $0xFFFFFFF0, v57  }
0x137: {  	v3 =	vor.u32 v3, v4  }
0x138: {  	v4 =	vperm.xlane v3, v0;
	_ =	sdelay $0x1  }
0x139: {  	v3 =	vperm.xlane v3, v2;
	v4 =	vadd.s32 v1, v4;
	_ =	sdelay $0x1  }
0x13a: {  	v3 =	vadd.s32 v1, v3;
	_ =	sdelay $0x2  }
0x13b: {  	[tilespmem:s16], [sflag:$0x1] =	stream.indirect_vreg.gather [hbm4b:s1+s3], $0x80, v4, vm0, $0xb8;
	[tilespmem:$0x8080] =	vst v63  }
0x13c: {  	_ = 	snop  }
0x13d: {  	[tilespmem:s17], [sflag:$0x1] =	stream.indirect_vreg.gather [hbm4b:s1+s3], $0x80, v3, vm0, $0xb8;
	[tilespmem:$0x8080] =	vst v63  }
0x13e: {  	v3 =	vld [tilespmem:$0x20];
	_ =	sdelay $0x4  }
0x13f: {  	v58 =	vshll.u32 v3, $0x1  }
0x140: {  	v3 =	vand.u32 $0x7, v3;
	v4 =	vand.u32 $0xFFFFFFF0, v58  }
0x141: {  	v3 =	vor.u32 v3, v4  }
0x142: {  	v4 =	vperm.xlane v3, v0;
	_ =	sdelay $0x1  }
0x143: {  	v3 =	vperm.xlane v3, v2;
	v4 =	vadd.s32 v1, v4;
	_ =	sdelay $0x1  }
0x144: {  	v3 =	vadd.s32 v1, v3;
	_ =	sdelay $0x2  }
0x145: {  	[tilespmem:s18], [sflag:$0x1] =	stream.indirect_vreg.gather [hbm4b:s1+s3], $0x80, v4, vm0, $0xb8;
	[tilespmem:$0x8080] =	vst v63  }
0x146: {  	_ = 	snop  }
0x147: {  	[tilespmem:s19], [sflag:$0x1] =	stream.indirect_vreg.gather [hbm4b:s1+s3], $0x80, v3, vm0, $0xb8;
	[tilespmem:$0x8080] =	vst v63  }
0x148: {  	v3 =	vld [tilespmem:$0x30];
	_ =	sdelay $0x4  }
0x149: {  	v59 =	vshll.u32 v3, $0x1  }
0x14a: {  	v3 =	vand.u32 $0x7, v3;
	v4 =	vand.u32 $0xFFFFFFF0, v59  }
0x14b: {  	v3 =	vor.u32 v3, v4  }
0x14c: {  	v4 =	vperm.xlane v3, v0;
	_ =	sdelay $0x1  }
0x14d: {  	v3 =	vperm.xlane v3, v2;
	v4 =	vadd.s32 v1, v4;
	_ =	sdelay $0x1  }
0x14e: {  	v3 =	vadd.s32 v1, v3;
	_ =	sdelay $0x2  }
0x14f: {  	[tilespmem:s20], [sflag:$0x1] =	stream.indirect_vreg.gather [hbm4b:s1+s3], $0x80, v4, vm0, $0xb8;
	[tilespmem:$0x8080] =	vst v63  }
0x150: {  	_ = 	snop  }
0x151: {  	[tilespmem:s21], [sflag:$0x1] =	stream.indirect_vreg.gather [hbm4b:s1+s3], $0x80, v3, vm0, $0xb8;
	[tilespmem:$0x8080] =	vst v63  }
0x152: {  	v3 =	vld [tilespmem:$0x40];
	_ =	sdelay $0x4  }
0x153: {  	v60 =	vshll.u32 v3, $0x1  }
0x154: {  	v3 =	vand.u32 $0x7, v3;
	v4 =	vand.u32 $0xFFFFFFF0, v60  }
0x155: {  	v3 =	vor.u32 v3, v4  }
0x156: {  	v4 =	vperm.xlane v3, v0;
	_ =	sdelay $0x1  }
0x157: {  	v3 =	vperm.xlane v3, v2;
	v4 =	vadd.s32 v1, v4;
	_ =	sdelay $0x1  }
0x158: {  	v3 =	vadd.s32 v1, v3;
	_ =	sdelay $0x2  }
0x159: {  	[tilespmem:s22], [sflag:$0x1] =	stream.indirect_vreg.gather [hbm4b:s1+s3], $0x80, v4, vm0, $0xb8;
	[tilespmem:$0x8080] =	vst v63  }
0x15a: {  	_ = 	snop  }
0x15b: {  	[tilespmem:s23], [sflag:$0x1] =	stream.indirect_vreg.gather [hbm4b:s1+s3], $0x80, v3, vm0, $0xb8;
	[tilespmem:$0x8080] =	vst v63  }
0x15c: {  	v3 =	vld [tilespmem:$0x50];
	_ =	sdelay $0x4  }
0x15d: {  	v61 =	vshll.u32 v3, $0x1  }
0x15e: {  	v3 =	vand.u32 $0x7, v3;
	v4 =	vand.u32 $0xFFFFFFF0, v61  }
0x15f: {  	v3 =	vor.u32 v3, v4  }
0x160: {  	v4 =	vperm.xlane v3, v0;
	_ =	sdelay $0x1  }
0x161: {  	v3 =	vperm.xlane v3, v2;
	v4 =	vadd.s32 v1, v4;
	_ =	sdelay $0x1  }
0x162: {  	v3 =	vadd.s32 v1, v3;
	_ =	sdelay $0x2  }
0x163: {  	[tilespmem:s24], [sflag:$0x1] =	stream.indirect_vreg.gather [hbm4b:s1+s3], $0x80, v4, vm0, $0xb8;
	[tilespmem:$0x8080] =	vst v63  }
0x164: {  	_ = 	snop  }
0x165: {  	[tilespmem:s25], [sflag:$0x1] =	stream.indirect_vreg.gather [hbm4b:s1+s3], $0x80, v3, vm0, $0xb8;
	[tilespmem:$0x8080] =	vst v63  }
0x166: {  	v3 =	vld [tilespmem:$0x60];
	_ =	sdelay $0x4  }
0x167: {  	v62 =	vshll.u32 v3, $0x1  }
0x168: {  	v3 =	vand.u32 $0x7, v3;
	v4 =	vand.u32 $0xFFFFFFF0, v62  }
0x169: {  	v3 =	vor.u32 v3, v4  }
0x16a: {  	v4 =	vperm.xlane v3, v0;
	_ =	sdelay $0x1  }
0x16b: {  	v3 =	vperm.xlane v3, v2;
	v4 =	vadd.s32 v1, v4;
	_ =	sdelay $0x1  }
0x16c: {  	v3 =	vadd.s32 v1, v3;
	_ =	sdelay $0x2  }
0x16d: {  	[tilespmem:s26], [sflag:$0x1] =	stream.indirect_vreg.gather [hbm4b:s1+s3], $0x80, v4, vm0, $0xb8;
	[tilespmem:$0x8080] =	vst v63  }
0x16e: {  	_ = 	snop  }
0x16f: {  	[tilespmem:s28], [sflag:$0x1] =	stream.indirect_vreg.gather [hbm4b:s1+s3], $0x80, v3, vm0, $0xb8;
	[tilespmem:$0x8080] =	vst v63  }
0x170: {  	v3 =	vld [tilespmem:$0x70];
	_ =	sdelay $0x4  }
0x171: {  	v63 =	vshll.u32 v3, $0x1  }
0x172: {  	v3 =	vand.u32 $0x7, v3;
	v4 =	vand.u32 $0xFFFFFFF0, v63  }
0x173: {  	v3 =	vor.u32 v3, v4  }
0x174: {  	v4 =	vperm.xlane v3, v0;
	_ =	sdelay $0x1  }
0x175: {  	v3 =	vperm.xlane v3, v2;
	v4 =	vadd.s32 v1, v4;
	_ =	sdelay $0x1  }
0x176: {  	v3 =	vadd.s32 v1, v3;
	_ =	sdelay $0x2  }
0x177: {  	[tilespmem:s29], [sflag:$0x1] =	stream.indirect_vreg.gather [hbm4b:s1+s3], $0x80, v4, vm0, $0xb8;
	[tilespmem:$0x8080] =	vst v63  }
0x178: {  	_ = 	snop  }
0x179: {  	[tilespmem:s30], [sflag:$0x1] =	stream.indirect_vreg.gather [hbm4b:s1+s3], $0x80, v3, vm0, $0xb8;
	[tilespmem:$0x8080] =	vst v63  }
0x17a: {  	_ =	swait.ge [sflag:s31], $0x8000  }
0x17b: {  	p0 =	sne.s32 s12, $0x1;
	[sflag:s31] =	ssyncset.done $0x0  }
.Ltmp0:
0x17c: {  	[sflag:s31] =	ssyncadd.s32 $0xFFFF8000;
	(pc) =	sbr.rel @p0 .LBB2_1-.Ltmp0, $4  }
0x17d: {  	[hbm4b:s11+s3] =	stream.linear.scatter [tilespmem:s14], [sflag:$0x2], $0x8000, $0x38;
	[tilespmem:$0x8080] =	vst v63  }
0x17e: {  	_ =	swait.ge [sflag:s13], $0x8000  }
0x17f: {  	[sflag:s13] =	ssyncset.done $0x0  }
0x180: {  	s12 =	sadd.s32 $0xFFFFFFFF, s12;
	[sflag:s13] =	ssyncadd.s32 $0xFFFF8000  }
0x181: {  	_ =	sfence.sel $0x180000  }
0x182: {  	[bflag:$0x0] =	sbarrier.arrive $0xFFFF  }
0x183: {  	p0 =	sne.s32 s2, $0x0;
	_ =	strace $0x90000047  }
0x184: {  	s0 =	sadd.s32 @!p0 $0x100000, s0;
	[bflag:$0x2] =	sbarrier.arrive $0xFFFF  }
0x185: {  	[sflag:s0] =	ssyncadd.tile.s32 @!p0 $0x1;
	_ =	shalt  }
.Lfunc_end2:
_tile_overlayer_lowered:
.L_overlay_start_2:
0x186: {  	(tag) =	ssettag $0x2  }
0x187: {  	s0 =	rddreg [dreg:$0x0];
	s2 =	stileid.u32  }
0x188: {  	s1 =	rddreg [dreg:$0x1];
	p0 =	sne.s32 s2, $0x0  }
0x189: {  	s3 =	rddreg [dreg:$0x2];
	[bflag:$0x3] =	sbarrier.arrive $0xFFFF;
	s2 =	simm.s32 @!p0 $0x1C02  }
0x18a: {  	[timem:s3], [sflag:s2] =	dma.local @!p0 [hbm:s0], s1  }
0x18b: {  	s0 =	simm.s32 @!p0 $0x2  }
0x18c: {  	_ =	swait.ge @!p0 [sflag:s0], s1  }
0x18d: {  	s1 =	ssub.s32 @!p0 $0x0, s1;
	[sflag:s0] =	ssyncset.done @!p0 $0x0  }
0x18e: {  	[sflag:s0] =	ssyncadd.s32 @!p0 s1  }
0x18f: {  	[bflag:$0x3] =	sbarrier.arrive $0xFFFF  }
0x190: {  	_ =	shalt  }

</sc_bundles>
